<compile_context>
chip_gen: v7x
topology: tpu7x:2x2x1
jax: 0.10.2.dev20260603
libtpu: 0.0.44.dev20260713+nightly
codegen_flags: <defaults>
</compile_context>

<pallas_src>
import functools

import jax
import jax.numpy as jnp
from jax import lax
from jax.experimental import pallas as pl
from jax.experimental.pallas import tpu as pltpu
from jax.experimental.pallas import tpu_sc as plsc

NC = 2
NS = 16
NW = NC * NS

NBUF = 4


def kernel(x, token_table, pos_table):
    B, S = x.shape
    V, D = token_table.shape
    LV = D // 16
    BW = B // NW

    mesh = plsc.VectorSubcoreMesh(core_axis_name="c", subcore_axis_name="s")

    @functools.partial(
        pl.kernel,
        mesh=mesh,
        out_type=jax.ShapeDtypeStruct((B, S, D), jnp.float32),
        scratch_types=[
            pltpu.VMEM((BW, S), jnp.int32),
            pltpu.VMEM((S, D), jnp.float32),
            pltpu.VMEM((NBUF, S, D), jnp.float32),
            pltpu.SemaphoreType.DMA((NBUF,)),
            pltpu.SemaphoreType.DMA((NBUF,)),
        ],
        compiler_params=pltpu.CompilerParams(use_tc_tiling_on_sc=False),
    )
    def run(x_hbm, tok_hbm, pos_hbm, out_hbm, idx_v, pos_v, buf_v, gsem, ssem):
        wid = lax.axis_index("s") * NC + lax.axis_index("c")
        row0 = wid * BW
        pltpu.sync_copy(x_hbm.at[pl.ds(row0, BW)], idx_v)
        pltpu.sync_copy(pos_hbm.at[pl.ds(0, S)], pos_v)

        HALVES = ((0, 104), (104, 96))

        def start_gather(r, slot):
            for off, ln in HALVES:
                pltpu.async_copy(
                    tok_hbm.at[idx_v.at[r, pl.ds(off, ln)]],
                    buf_v.at[slot, pl.ds(off, ln)],
                    gsem.at[slot])

        def wait_gather(slot):
            for off, ln in HALVES:
                pltpu.make_async_copy(
                    tok_hbm.at[idx_v.at[0, pl.ds(0, ln)]],
                    buf_v.at[slot, pl.ds(off, ln)],
                    gsem.at[slot]).wait()

        def start_scatter(r, slot):
            pltpu.async_copy(buf_v.at[slot], out_hbm.at[row0 + r],
                             ssem.at[slot])

        def wait_scatter(slot):
            pltpu.make_async_copy(buf_v.at[slot], out_hbm.at[0],
                                  ssem.at[slot]).wait()

        for g in range(3):
            start_gather(g, g)

        @pl.loop(0, BW, step=NBUF)
        def _ring(r0):
            for b in range(NBUF):
                slot = b
                r = r0 + b
                wait_gather(slot)

                @pl.loop(0, S, unroll=4)
                def _add(s):
                    for k in range(LV):
                        pv = pos_v[s, pl.ds(k * 16, 16)]
                        plsc.addupdate(buf_v.at[slot, s, pl.ds(k * 16, 16)],
                                       pv)

                start_scatter(r, slot)

                nxt = r + 3
                nslot = (b + 3) % NBUF

                @pl.when(nxt < BW)
                def _():
                    @pl.when(nxt >= NBUF)
                    def _():
                        wait_scatter(nslot)

                    start_gather(nxt, nslot)

        for b in range(NBUF):
            wait_scatter((BW - NBUF + b) % NBUF)

    return run(x.astype(jnp.int32), token_table, pos_table)

# --- scband reference (transcript-rebuilt; emitter-appended) ---
"""Pipeline reference for scband-token-and-position-embedding-48103633715475 (READ-ONLY COPY).

The authoritative reference and input builder live on the scoring server;
editing this copy changes nothing except your own understanding.
"""

import jax, jax.numpy as jnp
import numpy as np

VOCAB = 1000000
D_MODEL = 64
MAX_LEN = 2048
BATCH = 1024
SEQ = 200

def setup_inputs(seed: int = 0) -> dict:
    key = jax.random.key(seed)
    k1, k2, k3 = jax.random.split(key, 3)
    x = jax.random.randint(k1, (BATCH, SEQ), 0, VOCAB, dtype=jnp.int64 if jax.config.jax_enable_x64 else jnp.int32)
    token_table = jax.random.normal(k2, (VOCAB, D_MODEL), dtype=jnp.float32) * 0.02
    pos_table = jax.random.normal(k3, (MAX_LEN, D_MODEL), dtype=jnp.float32) * 0.02
    return {"x": x, "token_table": token_table, "pos_table": pos_table}

def reference(x, token_table, pos_table):
    seq_len = x.shape[1]
    positions = jnp.arange(seq_len)
    tok = jnp.take(token_table, x, axis=0)            # [B, S, D]
    pos = jnp.take(pos_table, positions, axis=0)      # [S, D]
    return tok + pos[None, :, :]

if __name__ == "__main__":
    import jax
    _d = setup_inputs()
    print(jax.jit(kernel)(*tuple(_d.values())))

</pallas_src>

<mosaic_0001>
#map = affine_map<(d0, d1) -> (0, 0)>
#map1 = affine_map<(d0, d1) -> (0, 0, 0)>
module attributes {stable_mosaic.version = 14 : i64} {
  func.func @run(%arg0: i32, %arg1: i32, %arg2: memref<1024x200xi32, #tpu.memory_space<hbm>>, %arg3: memref<1000000x64xf32, #tpu.memory_space<hbm>>, %arg4: memref<2048x64xf32, #tpu.memory_space<hbm>>, %arg5: memref<1024x200x64xf32, #tpu.memory_space<hbm>>, %arg6: memref<32x200xi32, #tpu.memory_space<vmem>>, %arg7: memref<200x64xf32, #tpu.memory_space<vmem>>, %arg8: memref<4x200x64xf32, #tpu.memory_space<vmem>>, %arg9: memref<4x!tpu.dma_semaphore, #tpu.memory_space<semaphore_mem>>, %arg10: memref<4x!tpu.dma_semaphore, #tpu.memory_space<semaphore_mem>>) attributes {dimension_semantics = [#tpu.dimension_semantics<core_parallel>, #tpu.dimension_semantics<subcore_parallel>], iteration_bounds = array<i64: 2, 16>, scalar_prefetch = 0 : i64, scratch_operands = 5 : i64, tpu.core_type = #tpu.core_type<sc_vector_subcore>, window_params = [{transform_indices = #map}, {transform_indices = #map}, {transform_indices = #map}, {transform_indices = #map1}]} {
    %mul3A = arith.constant 2 : i32
    %mul3A_0 = arith.muli %arg1, %mul3A : i32
    %add3A = arith.addi %mul3A_0, %arg0 : i32
    %mul3A_1 = arith.constant 32 : i32
    %mul3A_2 = arith.muli %add3A, %mul3A_1 : i32
    "tpu.region"() ({
      %run_scoped3A = tpu.sem_alloc : memref<!tpu.dma_semaphore, #tpu.memory_space<semaphore_mem>>
      %dma_start3A_179 = arith.constant 0 : i32
      %dma_start3A_180 = tpu.memref_slice %arg2[%mul3A_2, %dma_start3A_179] : memref<1024x200xi32, #tpu.memory_space<hbm>> -> memref<32x200xi32, #tpu.memory_space<hbm>>
      %dma_start3A_181 = arith.constant 0 : i32
      %dma_start3A_182 = tpu.memref_slice %arg2[%mul3A_2, %dma_start3A_181] : memref<1024x200xi32, #tpu.memory_space<hbm>> -> memref<32x200xi32, #tpu.memory_space<hbm>>
      tpu.enqueue_dma source(%dma_start3A_182 : memref<32x200xi32, #tpu.memory_space<hbm>>) target(%arg6 : memref<32x200xi32, #tpu.memory_space<vmem>>) target_semaphore(%run_scoped3A : memref<!tpu.dma_semaphore, #tpu.memory_space<semaphore_mem>>)
      %dma_wait3A_183 = arith.constant 0 : i32
      %dma_wait3A_184 = tpu.memref_slice %arg2[%mul3A_2, %dma_wait3A_183] : memref<1024x200xi32, #tpu.memory_space<hbm>> -> memref<32x200xi32, #tpu.memory_space<hbm>>
      %dma_wait3A_185 = arith.constant 0 : i32
      %dma_wait3A_186 = tpu.memref_slice %arg2[%mul3A_2, %dma_wait3A_185] : memref<1024x200xi32, #tpu.memory_space<hbm>> -> memref<32x200xi32, #tpu.memory_space<hbm>>
      tpu.wait_dma2 semaphore(%run_scoped3A : memref<!tpu.dma_semaphore, #tpu.memory_space<semaphore_mem>>) src(%dma_wait3A_186 : memref<32x200xi32, #tpu.memory_space<hbm>>) dst(%arg6 : memref<32x200xi32, #tpu.memory_space<vmem>>)
      tpu.yield
    }) : () -> ()
    "tpu.region"() ({
      %run_scoped3A = tpu.sem_alloc : memref<!tpu.dma_semaphore, #tpu.memory_space<semaphore_mem>>
      %dma_start3A_179 = arith.constant 0 : i32
      %dma_start3A_180 = arith.constant 0 : i32
      %dma_start3A_181 = tpu.memref_slice %arg4[%dma_start3A_179, %dma_start3A_180] : memref<2048x64xf32, #tpu.memory_space<hbm>> -> memref<200x64xf32, #tpu.memory_space<hbm>>
      %dma_start3A_182 = arith.constant 0 : i32
      %dma_start3A_183 = arith.constant 0 : i32
      %dma_start3A_184 = tpu.memref_slice %arg4[%dma_start3A_182, %dma_start3A_183] : memref<2048x64xf32, #tpu.memory_space<hbm>> -> memref<200x64xf32, #tpu.memory_space<hbm>>
      tpu.enqueue_dma source(%dma_start3A_184 : memref<200x64xf32, #tpu.memory_space<hbm>>) target(%arg7 : memref<200x64xf32, #tpu.memory_space<vmem>>) target_semaphore(%run_scoped3A : memref<!tpu.dma_semaphore, #tpu.memory_space<semaphore_mem>>)
      %dma_wait3A_185 = arith.constant 0 : i32
      %dma_wait3A_186 = arith.constant 0 : i32
      %dma_wait3A_187 = tpu.memref_slice %arg4[%dma_wait3A_185, %dma_wait3A_186] : memref<2048x64xf32, #tpu.memory_space<hbm>> -> memref<200x64xf32, #tpu.memory_space<hbm>>
      %dma_wait3A_188 = arith.constant 0 : i32
      %dma_wait3A_189 = arith.constant 0 : i32
      %dma_wait3A_190 = tpu.memref_slice %arg4[%dma_wait3A_188, %dma_wait3A_189] : memref<2048x64xf32, #tpu.memory_space<hbm>> -> memref<200x64xf32, #tpu.memory_space<hbm>>
      tpu.wait_dma2 semaphore(%run_scoped3A : memref<!tpu.dma_semaphore, #tpu.memory_space<semaphore_mem>>) src(%dma_wait3A_190 : memref<200x64xf32, #tpu.memory_space<hbm>>) dst(%arg7 : memref<200x64xf32, #tpu.memory_space<vmem>>)
      tpu.yield
    }) : () -> ()
    %dma_start3A = arith.constant 0 : i32
    %dma_start3A_3 = arith.constant 0 : i32
    %dma_start3A_4 = arith.constant 0 : i32
    %dma_start3A_5 = arith.constant 0 : i32
    %dma_start3A_6 = arith.constant 0 : i32
    %dma_start3A_7 = tpu.memref_slice %arg8[%dma_start3A_3, %dma_start3A_5, %dma_start3A_6] : memref<4x200x64xf32, #tpu.memory_space<vmem>> -> memref<1x104x64xf32, #tpu.memory_space<vmem>>
    %dma_start3A_8 = tpu.memref_squeeze %dma_start3A_7 : memref<1x104x64xf32, #tpu.memory_space<vmem>> -> memref<104x64xf32, #tpu.memory_space<vmem>>
    %dma_start3A_9 = arith.constant 0 : i32
    %dma_start3A_10 = tpu.memref_slice %arg6[%dma_start3A, %dma_start3A_9] : memref<32x200xi32, #tpu.memory_space<vmem>> -> memref<1x104xi32, #tpu.memory_space<vmem>>
    %dma_start3A_11 = tpu.memref_squeeze %dma_start3A_10 : memref<1x104xi32, #tpu.memory_space<vmem>> -> memref<104xi32, #tpu.memory_space<vmem>>
    %dma_start3A_12 = arith.constant 0 : i32
    %dma_start3A_13 = arith.constant 0 : i32
    %dma_start3A_14 = tpu.memref_slice %arg3[%dma_start3A_12, %dma_start3A_13] : memref<1000000x64xf32, #tpu.memory_space<hbm>> -> memref<1000000x64xf32, #tpu.memory_space<hbm>>
    %dma_start3A_15 = tpu.memref_slice %arg9[%dma_start3A_4] : memref<4x!tpu.dma_semaphore, #tpu.memory_space<semaphore_mem>> -> memref<1x!tpu.dma_semaphore, #tpu.memory_space<semaphore_mem>>
    %dma_start3A_16 = tpu.memref_squeeze %dma_start3A_15 : memref<1x!tpu.dma_semaphore, #tpu.memory_space<semaphore_mem>> -> memref<!tpu.dma_semaphore, #tpu.memory_space<semaphore_mem>>
    tpu.enqueue_indirect_dma source(%dma_start3A_14 : memref<1000000x64xf32, #tpu.memory_space<hbm>>) target(%dma_start3A_8 : memref<104x64xf32, #tpu.memory_space<vmem>>) offsets(%dma_start3A_11 : memref<104xi32, #tpu.memory_space<vmem>>) semaphore(%dma_start3A_16 : memref<!tpu.dma_semaphore, #tpu.memory_space<semaphore_mem>>)
    %dma_start3A_17 = arith.constant 0 : i32
    %dma_start3A_18 = arith.constant 0 : i32
    %dma_start3A_19 = arith.constant 0 : i32
    %dma_start3A_20 = arith.constant 104 : i32
    %dma_start3A_21 = arith.constant 0 : i32
    %dma_start3A_22 = tpu.memref_slice %arg8[%dma_start3A_18, %dma_start3A_20, %dma_start3A_21] : memref<4x200x64xf32, #tpu.memory_space<vmem>> -> memref<1x96x64xf32, #tpu.memory_space<vmem>>
    %dma_start3A_23 = tpu.memref_squeeze %dma_start3A_22 : memref<1x96x64xf32, #tpu.memory_space<vmem>> -> memref<96x64xf32, #tpu.memory_space<vmem>>
    %dma_start3A_24 = arith.constant 104 : i32
    %dma_start3A_25 = tpu.memref_slice %arg6[%dma_start3A_17, %dma_start3A_24] : memref<32x200xi32, #tpu.memory_space<vmem>> -> memref<1x96xi32, #tpu.memory_space<vmem>>
    %dma_start3A_26 = tpu.memref_squeeze %dma_start3A_25 : memref<1x96xi32, #tpu.memory_space<vmem>> -> memref<96xi32, #tpu.memory_space<vmem>>
    %dma_start3A_27 = arith.constant 0 : i32
    %dma_start3A_28 = arith.constant 0 : i32
    %dma_start3A_29 = tpu.memref_slice %arg3[%dma_start3A_27, %dma_start3A_28] : memref<1000000x64xf32, #tpu.memory_space<hbm>> -> memref<1000000x64xf32, #tpu.memory_space<hbm>>
    %dma_start3A_30 = tpu.memref_slice %arg9[%dma_start3A_19] : memref<4x!tpu.dma_semaphore, #tpu.memory_space<semaphore_mem>> -> memref<1x!tpu.dma_semaphore, #tpu.memory_space<semaphore_mem>>
    %dma_start3A_31 = tpu.memref_squeeze %dma_start3A_30 : memref<1x!tpu.dma_semaphore, #tpu.memory_space<semaphore_mem>> -> memref<!tpu.dma_semaphore, #tpu.memory_space<semaphore_mem>>
    tpu.enqueue_indirect_dma source(%dma_start3A_29 : memref<1000000x64xf32, #tpu.memory_space<hbm>>) target(%dma_start3A_23 : memref<96x64xf32, #tpu.memory_space<vmem>>) offsets(%dma_start3A_26 : memref<96xi32, #tpu.memory_space<vmem>>) semaphore(%dma_start3A_31 : memref<!tpu.dma_semaphore, #tpu.memory_space<semaphore_mem>>)
    %dma_start3A_32 = arith.constant 1 : i32
    %dma_start3A_33 = arith.constant 1 : i32
    %dma_start3A_34 = arith.constant 1 : i32
    %dma_start3A_35 = arith.constant 0 : i32
    %dma_start3A_36 = arith.constant 0 : i32
    %dma_start3A_37 = tpu.memref_slice %arg8[%dma_start3A_33, %dma_start3A_35, %dma_start3A_36] : memref<4x200x64xf32, #tpu.memory_space<vmem>> -> memref<1x104x64xf32, #tpu.memory_space<vmem>>
    %dma_start3A_38 = tpu.memref_squeeze %dma_start3A_37 : memref<1x104x64xf32, #tpu.memory_space<vmem>> -> memref<104x64xf32, #tpu.memory_space<vmem>>
    %dma_start3A_39 = arith.constant 0 : i32
    %dma_start3A_40 = tpu.memref_slice %arg6[%dma_start3A_32, %dma_start3A_39] : memref<32x200xi32, #tpu.memory_space<vmem>> -> memref<1x104xi32, #tpu.memory_space<vmem>>
    %dma_start3A_41 = tpu.memref_squeeze %dma_start3A_40 : memref<1x104xi32, #tpu.memory_space<vmem>> -> memref<104xi32, #tpu.memory_space<vmem>>
    %dma_start3A_42 = arith.constant 0 : i32
    %dma_start3A_43 = arith.constant 0 : i32
    %dma_start3A_44 = tpu.memref_slice %arg3[%dma_start3A_42, %dma_start3A_43] : memref<1000000x64xf32, #tpu.memory_space<hbm>> -> memref<1000000x64xf32, #tpu.memory_space<hbm>>
    %dma_start3A_45 = tpu.memref_slice %arg9[%dma_start3A_34] : memref<4x!tpu.dma_semaphore, #tpu.memory_space<semaphore_mem>> -> memref<1x!tpu.dma_semaphore, #tpu.memory_space<semaphore_mem>>
    %dma_start3A_46 = tpu.memref_squeeze %dma_start3A_45 : memref<1x!tpu.dma_semaphore, #tpu.memory_space<semaphore_mem>> -> memref<!tpu.dma_semaphore, #tpu.memory_space<semaphore_mem>>
    tpu.enqueue_indirect_dma source(%dma_start3A_44 : memref<1000000x64xf32, #tpu.memory_space<hbm>>) target(%dma_start3A_38 : memref<104x64xf32, #tpu.memory_space<vmem>>) offsets(%dma_start3A_41 : memref<104xi32, #tpu.memory_space<vmem>>) semaphore(%dma_start3A_46 : memref<!tpu.dma_semaphore, #tpu.memory_space<semaphore_mem>>)
    %dma_start3A_47 = arith.constant 1 : i32
    %dma_start3A_48 = arith.constant 1 : i32
    %dma_start3A_49 = arith.constant 1 : i32
    %dma_start3A_50 = arith.constant 104 : i32
    %dma_start3A_51 = arith.constant 0 : i32
    %dma_start3A_52 = tpu.memref_slice %arg8[%dma_start3A_48, %dma_start3A_50, %dma_start3A_51] : memref<4x200x64xf32, #tpu.memory_space<vmem>> -> memref<1x96x64xf32, #tpu.memory_space<vmem>>
    %dma_start3A_53 = tpu.memref_squeeze %dma_start3A_52 : memref<1x96x64xf32, #tpu.memory_space<vmem>> -> memref<96x64xf32, #tpu.memory_space<vmem>>
    %dma_start3A_54 = arith.constant 104 : i32
    %dma_start3A_55 = tpu.memref_slice %arg6[%dma_start3A_47, %dma_start3A_54] : memref<32x200xi32, #tpu.memory_space<vmem>> -> memref<1x96xi32, #tpu.memory_space<vmem>>
    %dma_start3A_56 = tpu.memref_squeeze %dma_start3A_55 : memref<1x96xi32, #tpu.memory_space<vmem>> -> memref<96xi32, #tpu.memory_space<vmem>>
    %dma_start3A_57 = arith.constant 0 : i32
    %dma_start3A_58 = arith.constant 0 : i32
    %dma_start3A_59 = tpu.memref_slice %arg3[%dma_start3A_57, %dma_start3A_58] : memref<1000000x64xf32, #tpu.memory_space<hbm>> -> memref<1000000x64xf32, #tpu.memory_space<hbm>>
    %dma_start3A_60 = tpu.memref_slice %arg9[%dma_start3A_49] : memref<4x!tpu.dma_semaphore, #tpu.memory_space<semaphore_mem>> -> memref<1x!tpu.dma_semaphore, #tpu.memory_space<semaphore_mem>>
    %dma_start3A_61 = tpu.memref_squeeze %dma_start3A_60 : memref<1x!tpu.dma_semaphore, #tpu.memory_space<semaphore_mem>> -> memref<!tpu.dma_semaphore, #tpu.memory_space<semaphore_mem>>
    tpu.enqueue_indirect_dma source(%dma_start3A_59 : memref<1000000x64xf32, #tpu.memory_space<hbm>>) target(%dma_start3A_53 : memref<96x64xf32, #tpu.memory_space<vmem>>) offsets(%dma_start3A_56 : memref<96xi32, #tpu.memory_space<vmem>>) semaphore(%dma_start3A_61 : memref<!tpu.dma_semaphore, #tpu.memory_space<semaphore_mem>>)
    %dma_start3A_62 = arith.constant 2 : i32
    %dma_start3A_63 = arith.constant 2 : i32
    %dma_start3A_64 = arith.constant 2 : i32
    %dma_start3A_65 = arith.constant 0 : i32
    %dma_start3A_66 = arith.constant 0 : i32
    %dma_start3A_67 = tpu.memref_slice %arg8[%dma_start3A_63, %dma_start3A_65, %dma_start3A_66] : memref<4x200x64xf32, #tpu.memory_space<vmem>> -> memref<1x104x64xf32, #tpu.memory_space<vmem>>
    %dma_start3A_68 = tpu.memref_squeeze %dma_start3A_67 : memref<1x104x64xf32, #tpu.memory_space<vmem>> -> memref<104x64xf32, #tpu.memory_space<vmem>>
    %dma_start3A_69 = arith.constant 0 : i32
    %dma_start3A_70 = tpu.memref_slice %arg6[%dma_start3A_62, %dma_start3A_69] : memref<32x200xi32, #tpu.memory_space<vmem>> -> memref<1x104xi32, #tpu.memory_space<vmem>>
    %dma_start3A_71 = tpu.memref_squeeze %dma_start3A_70 : memref<1x104xi32, #tpu.memory_space<vmem>> -> memref<104xi32, #tpu.memory_space<vmem>>
    %dma_start3A_72 = arith.constant 0 : i32
    %dma_start3A_73 = arith.constant 0 : i32
    %dma_start3A_74 = tpu.memref_slice %arg3[%dma_start3A_72, %dma_start3A_73] : memref<1000000x64xf32, #tpu.memory_space<hbm>> -> memref<1000000x64xf32, #tpu.memory_space<hbm>>
    %dma_start3A_75 = tpu.memref_slice %arg9[%dma_start3A_64] : memref<4x!tpu.dma_semaphore, #tpu.memory_space<semaphore_mem>> -> memref<1x!tpu.dma_semaphore, #tpu.memory_space<semaphore_mem>>
    %dma_start3A_76 = tpu.memref_squeeze %dma_start3A_75 : memref<1x!tpu.dma_semaphore, #tpu.memory_space<semaphore_mem>> -> memref<!tpu.dma_semaphore, #tpu.memory_space<semaphore_mem>>
    tpu.enqueue_indirect_dma source(%dma_start3A_74 : memref<1000000x64xf32, #tpu.memory_space<hbm>>) target(%dma_start3A_68 : memref<104x64xf32, #tpu.memory_space<vmem>>) offsets(%dma_start3A_71 : memref<104xi32, #tpu.memory_space<vmem>>) semaphore(%dma_start3A_76 : memref<!tpu.dma_semaphore, #tpu.memory_space<semaphore_mem>>)
    %dma_start3A_77 = arith.constant 2 : i32
    %dma_start3A_78 = arith.constant 2 : i32
    %dma_start3A_79 = arith.constant 2 : i32
    %dma_start3A_80 = arith.constant 104 : i32
    %dma_start3A_81 = arith.constant 0 : i32
    %dma_start3A_82 = tpu.memref_slice %arg8[%dma_start3A_78, %dma_start3A_80, %dma_start3A_81] : memref<4x200x64xf32, #tpu.memory_space<vmem>> -> memref<1x96x64xf32, #tpu.memory_space<vmem>>
    %dma_start3A_83 = tpu.memref_squeeze %dma_start3A_82 : memref<1x96x64xf32, #tpu.memory_space<vmem>> -> memref<96x64xf32, #tpu.memory_space<vmem>>
    %dma_start3A_84 = arith.constant 104 : i32
    %dma_start3A_85 = tpu.memref_slice %arg6[%dma_start3A_77, %dma_start3A_84] : memref<32x200xi32, #tpu.memory_space<vmem>> -> memref<1x96xi32, #tpu.memory_space<vmem>>
    %dma_start3A_86 = tpu.memref_squeeze %dma_start3A_85 : memref<1x96xi32, #tpu.memory_space<vmem>> -> memref<96xi32, #tpu.memory_space<vmem>>
    %dma_start3A_87 = arith.constant 0 : i32
    %dma_start3A_88 = arith.constant 0 : i32
    %dma_start3A_89 = tpu.memref_slice %arg3[%dma_start3A_87, %dma_start3A_88] : memref<1000000x64xf32, #tpu.memory_space<hbm>> -> memref<1000000x64xf32, #tpu.memory_space<hbm>>
    %dma_start3A_90 = tpu.memref_slice %arg9[%dma_start3A_79] : memref<4x!tpu.dma_semaphore, #tpu.memory_space<semaphore_mem>> -> memref<1x!tpu.dma_semaphore, #tpu.memory_space<semaphore_mem>>
    %dma_start3A_91 = tpu.memref_squeeze %dma_start3A_90 : memref<1x!tpu.dma_semaphore, #tpu.memory_space<semaphore_mem>> -> memref<!tpu.dma_semaphore, #tpu.memory_space<semaphore_mem>>
    tpu.enqueue_indirect_dma source(%dma_start3A_89 : memref<1000000x64xf32, #tpu.memory_space<hbm>>) target(%dma_start3A_83 : memref<96x64xf32, #tpu.memory_space<vmem>>) offsets(%dma_start3A_86 : memref<96xi32, #tpu.memory_space<vmem>>) semaphore(%dma_start3A_91 : memref<!tpu.dma_semaphore, #tpu.memory_space<semaphore_mem>>)
    %scan3A = arith.constant 0 : i32
    %scan3A_92 = arith.constant 8 : i32
    %scan3A_93 = arith.addi %scan3A, %scan3A_92 : i32
    %scan3A_94 = arith.constant 1 : i32
    scf.for %scan3A_179 = %scan3A to %scan3A_93 step %scan3A_94  : i32 {
      %mul3A_180 = arith.constant 4 : i32
      %mul3A_181 = arith.muli %scan3A_179, %mul3A_180 : i32
      %add3A_182 = arith.constant 0 : i32
      %add3A_183 = arith.addi %add3A_182, %mul3A_181 : i32
      %add3A_184 = arith.constant 0 : i32
      %add3A_185 = arith.addi %add3A_183, %add3A_184 : i32
      %dma_wait3A_186 = arith.constant 0 : i32
      %dma_wait3A_187 = arith.constant 0 : i32
      %dma_wait3A_188 = arith.constant 0 : i32
      %dma_wait3A_189 = arith.constant 0 : i32
      %dma_wait3A_190 = arith.constant 0 : i32
      %dma_wait3A_191 = tpu.memref_slice %arg8[%dma_wait3A_187, %dma_wait3A_189, %dma_wait3A_190] : memref<4x200x64xf32, #tpu.memory_space<vmem>> -> memref<1x104x64xf32, #tpu.memory_space<vmem>>
      %dma_wait3A_192 = tpu.memref_squeeze %dma_wait3A_191 : memref<1x104x64xf32, #tpu.memory_space<vmem>> -> memref<104x64xf32, #tpu.memory_space<vmem>>
      %dma_wait3A_193 = arith.constant 0 : i32
      %dma_wait3A_194 = tpu.memref_slice %arg6[%dma_wait3A_186, %dma_wait3A_193] : memref<32x200xi32, #tpu.memory_space<vmem>> -> memref<1x104xi32, #tpu.memory_space<vmem>>
      %dma_wait3A_195 = tpu.memref_squeeze %dma_wait3A_194 : memref<1x104xi32, #tpu.memory_space<vmem>> -> memref<104xi32, #tpu.memory_space<vmem>>
      %dma_wait3A_196 = arith.constant 0 : i32
      %dma_wait3A_197 = arith.constant 0 : i32
      %dma_wait3A_198 = tpu.memref_slice %arg3[%dma_wait3A_196, %dma_wait3A_197] : memref<1000000x64xf32, #tpu.memory_space<hbm>> -> memref<1000000x64xf32, #tpu.memory_space<hbm>>
      %dma_wait3A_199 = tpu.memref_slice %arg9[%dma_wait3A_188] : memref<4x!tpu.dma_semaphore, #tpu.memory_space<semaphore_mem>> -> memref<1x!tpu.dma_semaphore, #tpu.memory_space<semaphore_mem>>
      %dma_wait3A_200 = tpu.memref_squeeze %dma_wait3A_199 : memref<1x!tpu.dma_semaphore, #tpu.memory_space<semaphore_mem>> -> memref<!tpu.dma_semaphore, #tpu.memory_space<semaphore_mem>>
      tpu.wait_indirect_dma semaphore(%dma_wait3A_200 : memref<!tpu.dma_semaphore, #tpu.memory_space<semaphore_mem>>) src(%dma_wait3A_198 : memref<1000000x64xf32, #tpu.memory_space<hbm>>) dst(%dma_wait3A_192 : memref<104x64xf32, #tpu.memory_space<vmem>>)
      %dma_wait3A_201 = arith.constant 0 : i32
      %dma_wait3A_202 = arith.constant 0 : i32
      %dma_wait3A_203 = arith.constant 0 : i32
      %dma_wait3A_204 = arith.constant 104 : i32
      %dma_wait3A_205 = arith.constant 0 : i32
      %dma_wait3A_206 = tpu.memref_slice %arg8[%dma_wait3A_202, %dma_wait3A_204, %dma_wait3A_205] : memref<4x200x64xf32, #tpu.memory_space<vmem>> -> memref<1x96x64xf32, #tpu.memory_space<vmem>>
      %dma_wait3A_207 = tpu.memref_squeeze %dma_wait3A_206 : memref<1x96x64xf32, #tpu.memory_space<vmem>> -> memref<96x64xf32, #tpu.memory_space<vmem>>
      %dma_wait3A_208 = arith.constant 0 : i32
      %dma_wait3A_209 = tpu.memref_slice %arg6[%dma_wait3A_201, %dma_wait3A_208] : memref<32x200xi32, #tpu.memory_space<vmem>> -> memref<1x96xi32, #tpu.memory_space<vmem>>
      %dma_wait3A_210 = tpu.memref_squeeze %dma_wait3A_209 : memref<1x96xi32, #tpu.memory_space<vmem>> -> memref<96xi32, #tpu.memory_space<vmem>>
      %dma_wait3A_211 = arith.constant 0 : i32
      %dma_wait3A_212 = arith.constant 0 : i32
      %dma_wait3A_213 = tpu.memref_slice %arg3[%dma_wait3A_211, %dma_wait3A_212] : memref<1000000x64xf32, #tpu.memory_space<hbm>> -> memref<1000000x64xf32, #tpu.memory_space<hbm>>
      %dma_wait3A_214 = tpu.memref_slice %arg9[%dma_wait3A_203] : memref<4x!tpu.dma_semaphore, #tpu.memory_space<semaphore_mem>> -> memref<1x!tpu.dma_semaphore, #tpu.memory_space<semaphore_mem>>
      %dma_wait3A_215 = tpu.memref_squeeze %dma_wait3A_214 : memref<1x!tpu.dma_semaphore, #tpu.memory_space<semaphore_mem>> -> memref<!tpu.dma_semaphore, #tpu.memory_space<semaphore_mem>>
      tpu.wait_indirect_dma semaphore(%dma_wait3A_215 : memref<!tpu.dma_semaphore, #tpu.memory_space<semaphore_mem>>) src(%dma_wait3A_213 : memref<1000000x64xf32, #tpu.memory_space<hbm>>) dst(%dma_wait3A_207 : memref<96x64xf32, #tpu.memory_space<vmem>>)
      %scan3A_216 = arith.constant 0 : i32
      %scan3A_217 = arith.constant 200 : i32
      %scan3A_218 = arith.addi %scan3A_216, %scan3A_217 : i32
      %scan3A_219 = arith.constant 4 : i32
      scf.for %scan3A_441 = %scan3A_216 to %scan3A_218 step %scan3A_219  : i32 {
        %mul3A_442 = arith.constant 1 : i32
        %mul3A_443 = arith.muli %scan3A_441, %mul3A_442 : i32
        %add3A_444 = arith.constant 0 : i32
        %add3A_445 = arith.addi %add3A_444, %mul3A_443 : i32
        %get3A = arith.index_cast %add3A_445 : i32 to index
        %get3A_446 = arith.constant 0 : index
        %get3A_447 = tpu.vector_load %arg7[%get3A, %get3A_446] {strides = array<i32>} : memref<200x64xf32, #tpu.memory_space<vmem>>, vector<1x16xf32>,
        %get3A_448 = vector.shape_cast %get3A_447 : vector<1x16xf32> to vector<16xf32>
        %swap3A = arith.constant 0 : i32
        %swap3A_449 = arith.index_cast %swap3A : i32 to index
        %swap3A_450 = arith.index_cast %add3A_445 : i32 to index
        %swap3A_451 = arith.constant 0 : index
        %swap3A_452 = tpu.vector_load %arg8[%swap3A_449, %swap3A_450, %swap3A_451] {strides = array<i32>} : memref<4x200x64xf32, #tpu.memory_space<vmem>>, vector<1x1x16xf32>,
        %swap3A_453 = vector.shape_cast %swap3A_452 : vector<1x1x16xf32> to vector<16xf32>
        %swap3A_454 = vector.shape_cast %get3A_448 : vector<16xf32> to vector<1x1x16xf32>
        tpu.vector_store %arg8[%swap3A_449, %swap3A_450, %swap3A_451], %swap3A_454 {add = true, strides = array<i32>} : memref<4x200x64xf32, #tpu.memory_space<vmem>>, vector<1x1x16xf32>,
        %get3A_455 = arith.index_cast %add3A_445 : i32 to index
        %get3A_456 = arith.constant 16 : index
        %get3A_457 = tpu.vector_load %arg7[%get3A_455, %get3A_456] {strides = array<i32>} : memref<200x64xf32, #tpu.memory_space<vmem>>, vector<1x16xf32>,
        %get3A_458 = vector.shape_cast %get3A_457 : vector<1x16xf32> to vector<16xf32>
        %swap3A_459 = arith.constant 0 : i32
        %swap3A_460 = arith.index_cast %swap3A_459 : i32 to index
        %swap3A_461 = arith.index_cast %add3A_445 : i32 to index
        %swap3A_462 = arith.constant 16 : index
        %swap3A_463 = tpu.vector_load %arg8[%swap3A_460, %swap3A_461, %swap3A_462] {strides = array<i32>} : memref<4x200x64xf32, #tpu.memory_space<vmem>>, vector<1x1x16xf32>,
        %swap3A_464 = vector.shape_cast %swap3A_463 : vector<1x1x16xf32> to vector<16xf32>
        %swap3A_465 = vector.shape_cast %get3A_458 : vector<16xf32> to vector<1x1x16xf32>
        tpu.vector_store %arg8[%swap3A_460, %swap3A_461, %swap3A_462], %swap3A_465 {add = true, strides = array<i32>} : memref<4x200x64xf32, #tpu.memory_space<vmem>>, vector<1x1x16xf32>,
        %get3A_466 = arith.index_cast %add3A_445 : i32 to index
        %get3A_467 = arith.constant 32 : index
        %get3A_468 = tpu.vector_load %arg7[%get3A_466, %get3A_467] {strides = array<i32>} : memref<200x64xf32, #tpu.memory_space<vmem>>, vector<1x16xf32>,
        %get3A_469 = vector.shape_cast %get3A_468 : vector<1x16xf32> to vector<16xf32>
        %swap3A_470 = arith.constant 0 : i32
        %swap3A_471 = arith.index_cast %swap3A_470 : i32 to index
        %swap3A_472 = arith.index_cast %add3A_445 : i32 to index
        %swap3A_473 = arith.constant 32 : index
        %swap3A_474 = tpu.vector_load %arg8[%swap3A_471, %swap3A_472, %swap3A_473] {strides = array<i32>} : memref<4x200x64xf32, #tpu.memory_space<vmem>>, vector<1x1x16xf32>,
        %swap3A_475 = vector.shape_cast %swap3A_474 : vector<1x1x16xf32> to vector<16xf32>
        %swap3A_476 = vector.shape_cast %get3A_469 : vector<16xf32> to vector<1x1x16xf32>
        tpu.vector_store %arg8[%swap3A_471, %swap3A_472, %swap3A_473], %swap3A_476 {add = true, strides = array<i32>} : memref<4x200x64xf32, #tpu.memory_space<vmem>>, vector<1x1x16xf32>,
        %get3A_477 = arith.index_cast %add3A_445 : i32 to index
        %get3A_478 = arith.constant 48 : index
        %get3A_479 = tpu.vector_load %arg7[%get3A_477, %get3A_478] {strides = array<i32>} : memref<200x64xf32, #tpu.memory_space<vmem>>, vector<1x16xf32>,
        %get3A_480 = vector.shape_cast %get3A_479 : vector<1x16xf32> to vector<16xf32>
        %swap3A_481 = arith.constant 0 : i32
        %swap3A_482 = arith.index_cast %swap3A_481 : i32 to index
        %swap3A_483 = arith.index_cast %add3A_445 : i32 to index
        %swap3A_484 = arith.constant 48 : index
        %swap3A_485 = tpu.vector_load %arg8[%swap3A_482, %swap3A_483, %swap3A_484] {strides = array<i32>} : memref<4x200x64xf32, #tpu.memory_space<vmem>>, vector<1x1x16xf32>,
        %swap3A_486 = vector.shape_cast %swap3A_485 : vector<1x1x16xf32> to vector<16xf32>
        %swap3A_487 = vector.shape_cast %get3A_480 : vector<16xf32> to vector<1x1x16xf32>
        tpu.vector_store %arg8[%swap3A_482, %swap3A_483, %swap3A_484], %swap3A_487 {add = true, strides = array<i32>} : memref<4x200x64xf32, #tpu.memory_space<vmem>>, vector<1x1x16xf32>,
        %scan3A_488 = arith.constant 1 : i32
        %scan3A_489 = arith.addi %scan3A_441, %scan3A_488 : i32
        %mul3A_490 = arith.constant 1 : i32
        %mul3A_491 = arith.muli %scan3A_489, %mul3A_490 : i32
        %add3A_492 = arith.constant 0 : i32
        %add3A_493 = arith.addi %add3A_492, %mul3A_491 : i32
        %get3A_494 = arith.index_cast %add3A_493 : i32 to index
        %get3A_495 = arith.constant 0 : index
        %get3A_496 = tpu.vector_load %arg7[%get3A_494, %get3A_495] {strides = array<i32>} : memref<200x64xf32, #tpu.memory_space<vmem>>, vector<1x16xf32>,
        %get3A_497 = vector.shape_cast %get3A_496 : vector<1x16xf32> to vector<16xf32>
        %swap3A_498 = arith.constant 0 : i32
        %swap3A_499 = arith.index_cast %swap3A_498 : i32 to index
        %swap3A_500 = arith.index_cast %add3A_493 : i32 to index
        %swap3A_501 = arith.constant 0 : index
        %swap3A_502 = tpu.vector_load %arg8[%swap3A_499, %swap3A_500, %swap3A_501] {strides = array<i32>} : memref<4x200x64xf32, #tpu.memory_space<vmem>>, vector<1x1x16xf32>,
        %swap3A_503 = vector.shape_cast %swap3A_502 : vector<1x1x16xf32> to vector<16xf32>
        %swap3A_504 = vector.shape_cast %get3A_497 : vector<16xf32> to vector<1x1x16xf32>
        tpu.vector_store %arg8[%swap3A_499, %swap3A_500, %swap3A_501], %swap3A_504 {add = true, strides = array<i32>} : memref<4x200x64xf32, #tpu.memory_space<vmem>>, vector<1x1x16xf32>,
        %get3A_505 = arith.index_cast %add3A_493 : i32 to index
        %get3A_506 = arith.constant 16 : index
        %get3A_507 = tpu.vector_load %arg7[%get3A_505, %get3A_506] {strides = array<i32>} : memref<200x64xf32, #tpu.memory_space<vmem>>, vector<1x16xf32>,
        %get3A_508 = vector.shape_cast %get3A_507 : vector<1x16xf32> to vector<16xf32>
        %swap3A_509 = arith.constant 0 : i32
        %swap3A_510 = arith.index_cast %swap3A_509 : i32 to index
        %swap3A_511 = arith.index_cast %add3A_493 : i32 to index
        %swap3A_512 = arith.constant 16 : index
        %swap3A_513 = tpu.vector_load %arg8[%swap3A_510, %swap3A_511, %swap3A_512] {strides = array<i32>} : memref<4x200x64xf32, #tpu.memory_space<vmem>>, vector<1x1x16xf32>,
        %swap3A_514 = vector.shape_cast %swap3A_513 : vector<1x1x16xf32> to vector<16xf32>
        %swap3A_515 = vector.shape_cast %get3A_508 : vector<16xf32> to vector<1x1x16xf32>
        tpu.vector_store %arg8[%swap3A_510, %swap3A_511, %swap3A_512], %swap3A_515 {add = true, strides = array<i32>} : memref<4x200x64xf32, #tpu.memory_space<vmem>>, vector<1x1x16xf32>,
        %get3A_516 = arith.index_cast %add3A_493 : i32 to index
        %get3A_517 = arith.constant 32 : index
        %get3A_518 = tpu.vector_load %arg7[%get3A_516, %get3A_517] {strides = array<i32>} : memref<200x64xf32, #tpu.memory_space<vmem>>, vector<1x16xf32>,
        %get3A_519 = vector.shape_cast %get3A_518 : vector<1x16xf32> to vector<16xf32>
        %swap3A_520 = arith.constant 0 : i32
        %swap3A_521 = arith.index_cast %swap3A_520 : i32 to index
        %swap3A_522 = arith.index_cast %add3A_493 : i32 to index
        %swap3A_523 = arith.constant 32 : index
        %swap3A_524 = tpu.vector_load %arg8[%swap3A_521, %swap3A_522, %swap3A_523] {strides = array<i32>} : memref<4x200x64xf32, #tpu.memory_space<vmem>>, vector<1x1x16xf32>,
        %swap3A_525 = vector.shape_cast %swap3A_524 : vector<1x1x16xf32> to vector<16xf32>
        %swap3A_526 = vector.shape_cast %get3A_519 : vector<16xf32> to vector<1x1x16xf32>
        tpu.vector_store %arg8[%swap3A_521, %swap3A_522, %swap3A_523], %swap3A_526 {add = true, strides = array<i32>} : memref<4x200x64xf32, #tpu.memory_space<vmem>>, vector<1x1x16xf32>,
        %get3A_527 = arith.index_cast %add3A_493 : i32 to index
        %get3A_528 = arith.constant 48 : index
        %get3A_529 = tpu.vector_load %arg7[%get3A_527, %get3A_528] {strides = array<i32>} : memref<200x64xf32, #tpu.memory_space<vmem>>, vector<1x16xf32>,
        %get3A_530 = vector.shape_cast %get3A_529 : vector<1x16xf32> to vector<16xf32>
        %swap3A_531 = arith.constant 0 : i32
        %swap3A_532 = arith.index_cast %swap3A_531 : i32 to index
        %swap3A_533 = arith.index_cast %add3A_493 : i32 to index
        %swap3A_534 = arith.constant 48 : index
        %swap3A_535 = tpu.vector_load %arg8[%swap3A_532, %swap3A_533, %swap3A_534] {strides = array<i32>} : memref<4x200x64xf32, #tpu.memory_space<vmem>>, vector<1x1x16xf32>,
        %swap3A_536 = vector.shape_cast %swap3A_535 : vector<1x1x16xf32> to vector<16xf32>
        %swap3A_537 = vector.shape_cast %get3A_530 : vector<16xf32> to vector<1x1x16xf32>
        tpu.vector_store %arg8[%swap3A_532, %swap3A_533, %swap3A_534], %swap3A_537 {add = true, strides = array<i32>} : memref<4x200x64xf32, #tpu.memory_space<vmem>>, vector<1x1x16xf32>,
        %scan3A_538 = arith.constant 2 : i32
        %scan3A_539 = arith.addi %scan3A_441, %scan3A_538 : i32
        %mul3A_540 = arith.constant 1 : i32
        %mul3A_541 = arith.muli %scan3A_539, %mul3A_540 : i32
        %add3A_542 = arith.constant 0 : i32
        %add3A_543 = arith.addi %add3A_542, %mul3A_541 : i32
        %get3A_544 = arith.index_cast %add3A_543 : i32 to index
        %get3A_545 = arith.constant 0 : index
        %get3A_546 = tpu.vector_load %arg7[%get3A_544, %get3A_545] {strides = array<i32>} : memref<200x64xf32, #tpu.memory_space<vmem>>, vector<1x16xf32>,
        %get3A_547 = vector.shape_cast %get3A_546 : vector<1x16xf32> to vector<16xf32>
        %swap3A_548 = arith.constant 0 : i32
        %swap3A_549 = arith.index_cast %swap3A_548 : i32 to index
        %swap3A_550 = arith.index_cast %add3A_543 : i32 to index
        %swap3A_551 = arith.constant 0 : index
        %swap3A_552 = tpu.vector_load %arg8[%swap3A_549, %swap3A_550, %swap3A_551] {strides = array<i32>} : memref<4x200x64xf32, #tpu.memory_space<vmem>>, vector<1x1x16xf32>,
        %swap3A_553 = vector.shape_cast %swap3A_552 : vector<1x1x16xf32> to vector<16xf32>
        %swap3A_554 = vector.shape_cast %get3A_547 : vector<16xf32> to vector<1x1x16xf32>
        tpu.vector_store %arg8[%swap3A_549, %swap3A_550, %swap3A_551], %swap3A_554 {add = true, strides = array<i32>} : memref<4x200x64xf32, #tpu.memory_space<vmem>>, vector<1x1x16xf32>,
        %get3A_555 = arith.index_cast %add3A_543 : i32 to index
        %get3A_556 = arith.constant 16 : index
        %get3A_557 = tpu.vector_load %arg7[%get3A_555, %get3A_556] {strides = array<i32>} : memref<200x64xf32, #tpu.memory_space<vmem>>, vector<1x16xf32>,
        %get3A_558 = vector.shape_cast %get3A_557 : vector<1x16xf32> to vector<16xf32>
        %swap3A_559 = arith.constant 0 : i32
        %swap3A_560 = arith.index_cast %swap3A_559 : i32 to index
        %swap3A_561 = arith.index_cast %add3A_543 : i32 to index
        %swap3A_562 = arith.constant 16 : index
        %swap3A_563 = tpu.vector_load %arg8[%swap3A_560, %swap3A_561, %swap3A_562] {strides = array<i32>} : memref<4x200x64xf32, #tpu.memory_space<vmem>>, vector<1x1x16xf32>,
        %swap3A_564 = vector.shape_cast %swap3A_563 : vector<1x1x16xf32> to vector<16xf32>
        %swap3A_565 = vector.shape_cast %get3A_558 : vector<16xf32> to vector<1x1x16xf32>
        tpu.vector_store %arg8[%swap3A_560, %swap3A_561, %swap3A_562], %swap3A_565 {add = true, strides = array<i32>} : memref<4x200x64xf32, #tpu.memory_space<vmem>>, vector<1x1x16xf32>,
        %get3A_566 = arith.index_cast %add3A_543 : i32 to index
        %get3A_567 = arith.constant 32 : index
        %get3A_568 = tpu.vector_load %arg7[%get3A_566, %get3A_567] {strides = array<i32>} : memref<200x64xf32, #tpu.memory_space<vmem>>, vector<1x16xf32>,
        %get3A_569 = vector.shape_cast %get3A_568 : vector<1x16xf32> to vector<16xf32>
        %swap3A_570 = arith.constant 0 : i32
        %swap3A_571 = arith.index_cast %swap3A_570 : i32 to index
        %swap3A_572 = arith.index_cast %add3A_543 : i32 to index
        %swap3A_573 = arith.constant 32 : index
        %swap3A_574 = tpu.vector_load %arg8[%swap3A_571, %swap3A_572, %swap3A_573] {strides = array<i32>} : memref<4x200x64xf32, #tpu.memory_space<vmem>>, vector<1x1x16xf32>,
        %swap3A_575 = vector.shape_cast %swap3A_574 : vector<1x1x16xf32> to vector<16xf32>
        %swap3A_576 = vector.shape_cast %get3A_569 : vector<16xf32> to vector<1x1x16xf32>
        tpu.vector_store %arg8[%swap3A_571, %swap3A_572, %swap3A_573], %swap3A_576 {add = true, strides = array<i32>} : memref<4x200x64xf32, #tpu.memory_space<vmem>>, vector<1x1x16xf32>,
        %get3A_577 = arith.index_cast %add3A_543 : i32 to index
        %get3A_578 = arith.constant 48 : index
        %get3A_579 = tpu.vector_load %arg7[%get3A_577, %get3A_578] {strides = array<i32>} : memref<200x64xf32, #tpu.memory_space<vmem>>, vector<1x16xf32>,
        %get3A_580 = vector.shape_cast %get3A_579 : vector<1x16xf32> to vector<16xf32>
        %swap3A_581 = arith.constant 0 : i32
        %swap3A_582 = arith.index_cast %swap3A_581 : i32 to index
        %swap3A_583 = arith.index_cast %add3A_543 : i32 to index
        %swap3A_584 = arith.constant 48 : index
        %swap3A_585 = tpu.vector_load %arg8[%swap3A_582, %swap3A_583, %swap3A_584] {strides = array<i32>} : memref<4x200x64xf32, #tpu.memory_space<vmem>>, vector<1x1x16xf32>,
        %swap3A_586 = vector.shape_cast %swap3A_585 : vector<1x1x16xf32> to vector<16xf32>
        %swap3A_587 = vector.shape_cast %get3A_580 : vector<16xf32> to vector<1x1x16xf32>
        tpu.vector_store %arg8[%swap3A_582, %swap3A_583, %swap3A_584], %swap3A_587 {add = true, strides = array<i32>} : memref<4x200x64xf32, #tpu.memory_space<vmem>>, vector<1x1x16xf32>,
        %scan3A_588 = arith.constant 3 : i32
        %scan3A_589 = arith.addi %scan3A_441, %scan3A_588 : i32
        %mul3A_590 = arith.constant 1 : i32
        %mul3A_591 = arith.muli %scan3A_589, %mul3A_590 : i32
        %add3A_592 = arith.constant 0 : i32
        %add3A_593 = arith.addi %add3A_592, %mul3A_591 : i32
        %get3A_594 = arith.index_cast %add3A_593 : i32 to index
        %get3A_595 = arith.constant 0 : index
        %get3A_596 = tpu.vector_load %arg7[%get3A_594, %get3A_595] {strides = array<i32>} : memref<200x64xf32, #tpu.memory_space<vmem>>, vector<1x16xf32>,
        %get3A_597 = vector.shape_cast %get3A_596 : vector<1x16xf32> to vector<16xf32>
        %swap3A_598 = arith.constant 0 : i32
        %swap3A_599 = arith.index_cast %swap3A_598 : i32 to index
        %swap3A_600 = arith.index_cast %add3A_593 : i32 to index
        %swap3A_601 = arith.constant 0 : index
        %swap3A_602 = tpu.vector_load %arg8[%swap3A_599, %swap3A_600, %swap3A_601] {strides = array<i32>} : memref<4x200x64xf32, #tpu.memory_space<vmem>>, vector<1x1x16xf32>,
        %swap3A_603 = vector.shape_cast %swap3A_602 : vector<1x1x16xf32> to vector<16xf32>
        %swap3A_604 = vector.shape_cast %get3A_597 : vector<16xf32> to vector<1x1x16xf32>
        tpu.vector_store %arg8[%swap3A_599, %swap3A_600, %swap3A_601], %swap3A_604 {add = true, strides = array<i32>} : memref<4x200x64xf32, #tpu.memory_space<vmem>>, vector<1x1x16xf32>,
        %get3A_605 = arith.index_cast %add3A_593 : i32 to index
        %get3A_606 = arith.constant 16 : index
        %get3A_607 = tpu.vector_load %arg7[%get3A_605, %get3A_606] {strides = array<i32>} : memref<200x64xf32, #tpu.memory_space<vmem>>, vector<1x16xf32>,
        %get3A_608 = vector.shape_cast %get3A_607 : vector<1x16xf32> to vector<16xf32>
        %swap3A_609 = arith.constant 0 : i32
        %swap3A_610 = arith.index_cast %swap3A_609 : i32 to index
        %swap3A_611 = arith.index_cast %add3A_593 : i32 to index
        %swap3A_612 = arith.constant 16 : index
        %swap3A_613 = tpu.vector_load %arg8[%swap3A_610, %swap3A_611, %swap3A_612] {strides = array<i32>} : memref<4x200x64xf32, #tpu.memory_space<vmem>>, vector<1x1x16xf32>,
        %swap3A_614 = vector.shape_cast %swap3A_613 : vector<1x1x16xf32> to vector<16xf32>
        %swap3A_615 = vector.shape_cast %get3A_608 : vector<16xf32> to vector<1x1x16xf32>
        tpu.vector_store %arg8[%swap3A_610, %swap3A_611, %swap3A_612], %swap3A_615 {add = true, strides = array<i32>} : memref<4x200x64xf32, #tpu.memory_space<vmem>>, vector<1x1x16xf32>,
        %get3A_616 = arith.index_cast %add3A_593 : i32 to index
        %get3A_617 = arith.constant 32 : index
        %get3A_618 = tpu.vector_load %arg7[%get3A_616, %get3A_617] {strides = array<i32>} : memref<200x64xf32, #tpu.memory_space<vmem>>, vector<1x16xf32>,
        %get3A_619 = vector.shape_cast %get3A_618 : vector<1x16xf32> to vector<16xf32>
        %swap3A_620 = arith.constant 0 : i32
        %swap3A_621 = arith.index_cast %swap3A_620 : i32 to index
        %swap3A_622 = arith.index_cast %add3A_593 : i32 to index
        %swap3A_623 = arith.constant 32 : index
        %swap3A_624 = tpu.vector_load %arg8[%swap3A_621, %swap3A_622, %swap3A_623] {strides = array<i32>} : memref<4x200x64xf32, #tpu.memory_space<vmem>>, vector<1x1x16xf32>,
        %swap3A_625 = vector.shape_cast %swap3A_624 : vector<1x1x16xf32> to vector<16xf32>
        %swap3A_626 = vector.shape_cast %get3A_619 : vector<16xf32> to vector<1x1x16xf32>
        tpu.vector_store %arg8[%swap3A_621, %swap3A_622, %swap3A_623], %swap3A_626 {add = true, strides = array<i32>} : memref<4x200x64xf32, #tpu.memory_space<vmem>>, vector<1x1x16xf32>,
        %get3A_627 = arith.index_cast %add3A_593 : i32 to index
        %get3A_628 = arith.constant 48 : index
        %get3A_629 = tpu.vector_load %arg7[%get3A_627, %get3A_628] {strides = array<i32>} : memref<200x64xf32, #tpu.memory_space<vmem>>, vector<1x16xf32>,
        %get3A_630 = vector.shape_cast %get3A_629 : vector<1x16xf32> to vector<16xf32>
        %swap3A_631 = arith.constant 0 : i32
        %swap3A_632 = arith.index_cast %swap3A_631 : i32 to index
        %swap3A_633 = arith.index_cast %add3A_593 : i32 to index
        %swap3A_634 = arith.constant 48 : index
        %swap3A_635 = tpu.vector_load %arg8[%swap3A_632, %swap3A_633, %swap3A_634] {strides = array<i32>} : memref<4x200x64xf32, #tpu.memory_space<vmem>>, vector<1x1x16xf32>,
        %swap3A_636 = vector.shape_cast %swap3A_635 : vector<1x1x16xf32> to vector<16xf32>
        %swap3A_637 = vector.shape_cast %get3A_630 : vector<16xf32> to vector<1x1x16xf32>
        tpu.vector_store %arg8[%swap3A_632, %swap3A_633, %swap3A_634], %swap3A_637 {add = true, strides = array<i32>} : memref<4x200x64xf32, #tpu.memory_space<vmem>>, vector<1x1x16xf32>,
      }
      %scan3A_220 = arith.constant 200 : i32
      %add3A_221 = arith.addi %mul3A_2, %add3A_185 : i32
      %dma_start3A_222 = arith.constant 0 : i32
      %dma_start3A_223 = arith.constant 0 : i32
      %dma_start3A_224 = arith.constant 0 : i32
      %dma_start3A_225 = arith.constant 0 : i32
      %dma_start3A_226 = tpu.memref_slice %arg8[%dma_start3A_222, %dma_start3A_224, %dma_start3A_225] : memref<4x200x64xf32, #tpu.memory_space<vmem>> -> memref<1x200x64xf32, #tpu.memory_space<vmem>>
      %dma_start3A_227 = tpu.memref_squeeze %dma_start3A_226 : memref<1x200x64xf32, #tpu.memory_space<vmem>> -> memref<200x64xf32, #tpu.memory_space<vmem>>
      %dma_start3A_228 = arith.constant 0 : i32
      %dma_start3A_229 = arith.constant 0 : i32
      %dma_start3A_230 = tpu.memref_slice %arg5[%add3A_221, %dma_start3A_228, %dma_start3A_229] : memref<1024x200x64xf32, #tpu.memory_space<hbm>> -> memref<1x200x64xf32, #tpu.memory_space<hbm>>
      %dma_start3A_231 = tpu.memref_squeeze %dma_start3A_230 : memref<1x200x64xf32, #tpu.memory_space<hbm>> -> memref<200x64xf32, #tpu.memory_space<hbm>>
      %dma_start3A_232 = tpu.memref_slice %arg10[%dma_start3A_223] : memref<4x!tpu.dma_semaphore, #tpu.memory_space<semaphore_mem>> -> memref<1x!tpu.dma_semaphore, #tpu.memory_space<semaphore_mem>>
      %dma_start3A_233 = tpu.memref_squeeze %dma_start3A_232 : memref<1x!tpu.dma_semaphore, #tpu.memory_space<semaphore_mem>> -> memref<!tpu.dma_semaphore, #tpu.memory_space<semaphore_mem>>
      %dma_start3A_234 = arith.constant 0 : i32
      %dma_start3A_235 = arith.constant 0 : i32
      %dma_start3A_236 = tpu.memref_slice %arg5[%add3A_221, %dma_start3A_234, %dma_start3A_235] : memref<1024x200x64xf32, #tpu.memory_space<hbm>> -> memref<1x200x64xf32, #tpu.memory_space<hbm>>
      %dma_start3A_237 = tpu.memref_squeeze %dma_start3A_236 : memref<1x200x64xf32, #tpu.memory_space<hbm>> -> memref<200x64xf32, #tpu.memory_space<hbm>>
      %dma_start3A_238 = arith.constant 0 : i32
      %dma_start3A_239 = arith.constant 0 : i32
      %dma_start3A_240 = tpu.memref_slice %arg8[%dma_start3A_222, %dma_start3A_238, %dma_start3A_239] : memref<4x200x64xf32, #tpu.memory_space<vmem>> -> memref<1x200x64xf32, #tpu.memory_space<vmem>>
      %dma_start3A_241 = tpu.memref_squeeze %dma_start3A_240 : memref<1x200x64xf32, #tpu.memory_space<vmem>> -> memref<200x64xf32, #tpu.memory_space<vmem>>
      tpu.enqueue_dma source(%dma_start3A_241 : memref<200x64xf32, #tpu.memory_space<vmem>>) target(%dma_start3A_237 : memref<200x64xf32, #tpu.memory_space<hbm>>) target_semaphore(%dma_start3A_233 : memref<!tpu.dma_semaphore, #tpu.memory_space<semaphore_mem>>)
      %add3A_242 = arith.constant 3 : i32
      %add3A_243 = arith.addi %add3A_185, %add3A_242 : i32
      %lt3A = arith.constant 32 : i32
      %lt3A_244 = arith.cmpi slt, %add3A_243, %lt3A : i32
      %convert_element_type3A = arith.extui %lt3A_244 : i1 to i32
      %cond3A = arith.constant 0 : i32
      %cond3A_245 = arith.cmpi ne, %convert_element_type3A, %cond3A : i32
      scf.if %cond3A_245 {
        %ge3A = arith.constant 4 : i32
        %ge3A_441 = arith.cmpi sge, %add3A_243, %ge3A : i32
        %convert_element_type3A_442 = arith.extui %ge3A_441 : i1 to i32
        %cond3A_443 = arith.constant 0 : i32
        %cond3A_444 = arith.cmpi ne, %convert_element_type3A_442, %cond3A_443 : i32
        scf.if %cond3A_444 {
          %dma_wait3A_473 = arith.constant 3 : i32
          %dma_wait3A_474 = arith.constant 0 : i32
          %dma_wait3A_475 = arith.constant 3 : i32
          %dma_wait3A_476 = arith.constant 0 : i32
          %dma_wait3A_477 = arith.constant 0 : i32
          %dma_wait3A_478 = tpu.memref_slice %arg8[%dma_wait3A_473, %dma_wait3A_476, %dma_wait3A_477] : memref<4x200x64xf32, #tpu.memory_space<vmem>> -> memref<1x200x64xf32, #tpu.memory_space<vmem>>
          %dma_wait3A_479 = tpu.memref_squeeze %dma_wait3A_478 : memref<1x200x64xf32, #tpu.memory_space<vmem>> -> memref<200x64xf32, #tpu.memory_space<vmem>>
          %dma_wait3A_480 = arith.constant 0 : i32
          %dma_wait3A_481 = arith.constant 0 : i32
          %dma_wait3A_482 = tpu.memref_slice %arg5[%dma_wait3A_474, %dma_wait3A_480, %dma_wait3A_481] : memref<1024x200x64xf32, #tpu.memory_space<hbm>> -> memref<1x200x64xf32, #tpu.memory_space<hbm>>
          %dma_wait3A_483 = tpu.memref_squeeze %dma_wait3A_482 : memref<1x200x64xf32, #tpu.memory_space<hbm>> -> memref<200x64xf32, #tpu.memory_space<hbm>>
          %dma_wait3A_484 = tpu.memref_slice %arg10[%dma_wait3A_475] : memref<4x!tpu.dma_semaphore, #tpu.memory_space<semaphore_mem>> -> memref<1x!tpu.dma_semaphore, #tpu.memory_space<semaphore_mem>>
          %dma_wait3A_485 = tpu.memref_squeeze %dma_wait3A_484 : memref<1x!tpu.dma_semaphore, #tpu.memory_space<semaphore_mem>> -> memref<!tpu.dma_semaphore, #tpu.memory_space<semaphore_mem>>
          %dma_wait3A_486 = arith.constant 0 : i32
          %dma_wait3A_487 = arith.constant 0 : i32
          %dma_wait3A_488 = tpu.memref_slice %arg5[%dma_wait3A_474, %dma_wait3A_486, %dma_wait3A_487] : memref<1024x200x64xf32, #tpu.memory_space<hbm>> -> memref<1x200x64xf32, #tpu.memory_space<hbm>>
          %dma_wait3A_489 = tpu.memref_squeeze %dma_wait3A_488 : memref<1x200x64xf32, #tpu.memory_space<hbm>> -> memref<200x64xf32, #tpu.memory_space<hbm>>
          %dma_wait3A_490 = arith.constant 0 : i32
          %dma_wait3A_491 = arith.constant 0 : i32
          %dma_wait3A_492 = tpu.memref_slice %arg8[%dma_wait3A_473, %dma_wait3A_490, %dma_wait3A_491] : memref<4x200x64xf32, #tpu.memory_space<vmem>> -> memref<1x200x64xf32, #tpu.memory_space<vmem>>
          %dma_wait3A_493 = tpu.memref_squeeze %dma_wait3A_492 : memref<1x200x64xf32, #tpu.memory_space<vmem>> -> memref<200x64xf32, #tpu.memory_space<vmem>>
          tpu.wait_dma2 semaphore(%dma_wait3A_485 : memref<!tpu.dma_semaphore, #tpu.memory_space<semaphore_mem>>) src(%dma_wait3A_493 : memref<200x64xf32, #tpu.memory_space<vmem>>) dst(%dma_wait3A_489 : memref<200x64xf32, #tpu.memory_space<hbm>>)
        } else {
        }
        %dma_start3A_445 = arith.constant 3 : i32
        %dma_start3A_446 = arith.constant 3 : i32
        %dma_start3A_447 = arith.constant 0 : i32
        %dma_start3A_448 = arith.constant 0 : i32
        %dma_start3A_449 = tpu.memref_slice %arg8[%dma_start3A_445, %dma_start3A_447, %dma_start3A_448] : memref<4x200x64xf32, #tpu.memory_space<vmem>> -> memref<1x104x64xf32, #tpu.memory_space<vmem>>
        %dma_start3A_450 = tpu.memref_squeeze %dma_start3A_449 : memref<1x104x64xf32, #tpu.memory_space<vmem>> -> memref<104x64xf32, #tpu.memory_space<vmem>>
        %dma_start3A_451 = arith.constant 0 : i32
        %dma_start3A_452 = tpu.memref_slice %arg6[%add3A_243, %dma_start3A_451] : memref<32x200xi32, #tpu.memory_space<vmem>> -> memref<1x104xi32, #tpu.memory_space<vmem>>
        %dma_start3A_453 = tpu.memref_squeeze %dma_start3A_452 : memref<1x104xi32, #tpu.memory_space<vmem>> -> memref<104xi32, #tpu.memory_space<vmem>>
        %dma_start3A_454 = arith.constant 0 : i32
        %dma_start3A_455 = arith.constant 0 : i32
        %dma_start3A_456 = tpu.memref_slice %arg3[%dma_start3A_454, %dma_start3A_455] : memref<1000000x64xf32, #tpu.memory_space<hbm>> -> memref<1000000x64xf32, #tpu.memory_space<hbm>>
        %dma_start3A_457 = tpu.memref_slice %arg9[%dma_start3A_446] : memref<4x!tpu.dma_semaphore, #tpu.memory_space<semaphore_mem>> -> memref<1x!tpu.dma_semaphore, #tpu.memory_space<semaphore_mem>>
        %dma_start3A_458 = tpu.memref_squeeze %dma_start3A_457 : memref<1x!tpu.dma_semaphore, #tpu.memory_space<semaphore_mem>> -> memref<!tpu.dma_semaphore, #tpu.memory_space<semaphore_mem>>
        tpu.enqueue_indirect_dma source(%dma_start3A_456 : memref<1000000x64xf32, #tpu.memory_space<hbm>>) target(%dma_start3A_450 : memref<104x64xf32, #tpu.memory_space<vmem>>) offsets(%dma_start3A_453 : memref<104xi32, #tpu.memory_space<vmem>>) semaphore(%dma_start3A_458 : memref<!tpu.dma_semaphore, #tpu.memory_space<semaphore_mem>>)
        %dma_start3A_459 = arith.constant 3 : i32
        %dma_start3A_460 = arith.constant 3 : i32
        %dma_start3A_461 = arith.constant 104 : i32
        %dma_start3A_462 = arith.constant 0 : i32
        %dma_start3A_463 = tpu.memref_slice %arg8[%dma_start3A_459, %dma_start3A_461, %dma_start3A_462] : memref<4x200x64xf32, #tpu.memory_space<vmem>> -> memref<1x96x64xf32, #tpu.memory_space<vmem>>
        %dma_start3A_464 = tpu.memref_squeeze %dma_start3A_463 : memref<1x96x64xf32, #tpu.memory_space<vmem>> -> memref<96x64xf32, #tpu.memory_space<vmem>>
        %dma_start3A_465 = arith.constant 104 : i32
        %dma_start3A_466 = tpu.memref_slice %arg6[%add3A_243, %dma_start3A_465] : memref<32x200xi32, #tpu.memory_space<vmem>> -> memref<1x96xi32, #tpu.memory_space<vmem>>
        %dma_start3A_467 = tpu.memref_squeeze %dma_start3A_466 : memref<1x96xi32, #tpu.memory_space<vmem>> -> memref<96xi32, #tpu.memory_space<vmem>>
        %dma_start3A_468 = arith.constant 0 : i32
        %dma_start3A_469 = arith.constant 0 : i32
        %dma_start3A_470 = tpu.memref_slice %arg3[%dma_start3A_468, %dma_start3A_469] : memref<1000000x64xf32, #tpu.memory_space<hbm>> -> memref<1000000x64xf32, #tpu.memory_space<hbm>>
        %dma_start3A_471 = tpu.memref_slice %arg9[%dma_start3A_460] : memref<4x!tpu.dma_semaphore, #tpu.memory_space<semaphore_mem>> -> memref<1x!tpu.dma_semaphore, #tpu.memory_space<semaphore_mem>>
        %dma_start3A_472 = tpu.memref_squeeze %dma_start3A_471 : memref<1x!tpu.dma_semaphore, #tpu.memory_space<semaphore_mem>> -> memref<!tpu.dma_semaphore, #tpu.memory_space<semaphore_mem>>
        tpu.enqueue_indirect_dma source(%dma_start3A_470 : memref<1000000x64xf32, #tpu.memory_space<hbm>>) target(%dma_start3A_464 : memref<96x64xf32, #tpu.memory_space<vmem>>) offsets(%dma_start3A_467 : memref<96xi32, #tpu.memory_space<vmem>>) semaphore(%dma_start3A_472 : memref<!tpu.dma_semaphore, #tpu.memory_space<semaphore_mem>>)
      } else {
      }
      %add3A_246 = arith.constant 1 : i32
      %add3A_247 = arith.addi %add3A_183, %add3A_246 : i32
      %dma_wait3A_248 = arith.constant 0 : i32
      %dma_wait3A_249 = arith.constant 1 : i32
      %dma_wait3A_250 = arith.constant 1 : i32
      %dma_wait3A_251 = arith.constant 0 : i32
      %dma_wait3A_252 = arith.constant 0 : i32
      %dma_wait3A_253 = tpu.memref_slice %arg8[%dma_wait3A_249, %dma_wait3A_251, %dma_wait3A_252] : memref<4x200x64xf32, #tpu.memory_space<vmem>> -> memref<1x104x64xf32, #tpu.memory_space<vmem>>
      %dma_wait3A_254 = tpu.memref_squeeze %dma_wait3A_253 : memref<1x104x64xf32, #tpu.memory_space<vmem>> -> memref<104x64xf32, #tpu.memory_space<vmem>>
      %dma_wait3A_255 = arith.constant 0 : i32
      %dma_wait3A_256 = tpu.memref_slice %arg6[%dma_wait3A_248, %dma_wait3A_255] : memref<32x200xi32, #tpu.memory_space<vmem>> -> memref<1x104xi32, #tpu.memory_space<vmem>>
      %dma_wait3A_257 = tpu.memref_squeeze %dma_wait3A_256 : memref<1x104xi32, #tpu.memory_space<vmem>> -> memref<104xi32, #tpu.memory_space<vmem>>
      %dma_wait3A_258 = arith.constant 0 : i32
      %dma_wait3A_259 = arith.constant 0 : i32
      %dma_wait3A_260 = tpu.memref_slice %arg3[%dma_wait3A_258, %dma_wait3A_259] : memref<1000000x64xf32, #tpu.memory_space<hbm>> -> memref<1000000x64xf32, #tpu.memory_space<hbm>>
      %dma_wait3A_261 = tpu.memref_slice %arg9[%dma_wait3A_250] : memref<4x!tpu.dma_semaphore, #tpu.memory_space<semaphore_mem>> -> memref<1x!tpu.dma_semaphore, #tpu.memory_space<semaphore_mem>>
      %dma_wait3A_262 = tpu.memref_squeeze %dma_wait3A_261 : memref<1x!tpu.dma_semaphore, #tpu.memory_space<semaphore_mem>> -> memref<!tpu.dma_semaphore, #tpu.memory_space<semaphore_mem>>
      tpu.wait_indirect_dma semaphore(%dma_wait3A_262 : memref<!tpu.dma_semaphore, #tpu.memory_space<semaphore_mem>>) src(%dma_wait3A_260 : memref<1000000x64xf32, #tpu.memory_space<hbm>>) dst(%dma_wait3A_254 : memref<104x64xf32, #tpu.memory_space<vmem>>)
      %dma_wait3A_263 = arith.constant 0 : i32
      %dma_wait3A_264 = arith.constant 1 : i32
      %dma_wait3A_265 = arith.constant 1 : i32
      %dma_wait3A_266 = arith.constant 104 : i32
      %dma_wait3A_267 = arith.constant 0 : i32
      %dma_wait3A_268 = tpu.memref_slice %arg8[%dma_wait3A_264, %dma_wait3A_266, %dma_wait3A_267] : memref<4x200x64xf32, #tpu.memory_space<vmem>> -> memref<1x96x64xf32, #tpu.memory_space<vmem>>
      %dma_wait3A_269 = tpu.memref_squeeze %dma_wait3A_268 : memref<1x96x64xf32, #tpu.memory_space<vmem>> -> memref<96x64xf32, #tpu.memory_space<vmem>>
      %dma_wait3A_270 = arith.constant 0 : i32
      %dma_wait3A_271 = tpu.memref_slice %arg6[%dma_wait3A_263, %dma_wait3A_270] : memref<32x200xi32, #tpu.memory_space<vmem>> -> memref<1x96xi32, #tpu.memory_space<vmem>>
      %dma_wait3A_272 = tpu.memref_squeeze %dma_wait3A_271 : memref<1x96xi32, #tpu.memory_space<vmem>> -> memref<96xi32, #tpu.memory_space<vmem>>
      %dma_wait3A_273 = arith.constant 0 : i32
      %dma_wait3A_274 = arith.constant 0 : i32
      %dma_wait3A_275 = tpu.memref_slice %arg3[%dma_wait3A_273, %dma_wait3A_274] : memref<1000000x64xf32, #tpu.memory_space<hbm>> -> memref<1000000x64xf32, #tpu.memory_space<hbm>>
      %dma_wait3A_276 = tpu.memref_slice %arg9[%dma_wait3A_265] : memref<4x!tpu.dma_semaphore, #tpu.memory_space<semaphore_mem>> -> memref<1x!tpu.dma_semaphore, #tpu.memory_space<semaphore_mem>>
      %dma_wait3A_277 = tpu.memref_squeeze %dma_wait3A_276 : memref<1x!tpu.dma_semaphore, #tpu.memory_space<semaphore_mem>> -> memref<!tpu.dma_semaphore, #tpu.memory_space<semaphore_mem>>
      tpu.wait_indirect_dma semaphore(%dma_wait3A_277 : memref<!tpu.dma_semaphore, #tpu.memory_space<semaphore_mem>>) src(%dma_wait3A_275 : memref<1000000x64xf32, #tpu.memory_space<hbm>>) dst(%dma_wait3A_269 : memref<96x64xf32, #tpu.memory_space<vmem>>)
      %scan3A_278 = arith.constant 0 : i32
      %scan3A_279 = arith.constant 200 : i32
      %scan3A_280 = arith.addi %scan3A_278, %scan3A_279 : i32
      %scan3A_281 = arith.constant 4 : i32
      scf.for %scan3A_441 = %scan3A_278 to %scan3A_280 step %scan3A_281  : i32 {
        %mul3A_442 = arith.constant 1 : i32
        %mul3A_443 = arith.muli %scan3A_441, %mul3A_442 : i32
        %add3A_444 = arith.constant 0 : i32
        %add3A_445 = arith.addi %add3A_444, %mul3A_443 : i32
        %get3A = arith.index_cast %add3A_445 : i32 to index
        %get3A_446 = arith.constant 0 : index
        %get3A_447 = tpu.vector_load %arg7[%get3A, %get3A_446] {strides = array<i32>} : memref<200x64xf32, #tpu.memory_space<vmem>>, vector<1x16xf32>,
        %get3A_448 = vector.shape_cast %get3A_447 : vector<1x16xf32> to vector<16xf32>
        %swap3A = arith.constant 1 : i32
        %swap3A_449 = arith.index_cast %swap3A : i32 to index
        %swap3A_450 = arith.index_cast %add3A_445 : i32 to index
        %swap3A_451 = arith.constant 0 : index
        %swap3A_452 = tpu.vector_load %arg8[%swap3A_449, %swap3A_450, %swap3A_451] {strides = array<i32>} : memref<4x200x64xf32, #tpu.memory_space<vmem>>, vector<1x1x16xf32>,
        %swap3A_453 = vector.shape_cast %swap3A_452 : vector<1x1x16xf32> to vector<16xf32>
        %swap3A_454 = vector.shape_cast %get3A_448 : vector<16xf32> to vector<1x1x16xf32>
        tpu.vector_store %arg8[%swap3A_449, %swap3A_450, %swap3A_451], %swap3A_454 {add = true, strides = array<i32>} : memref<4x200x64xf32, #tpu.memory_space<vmem>>, vector<1x1x16xf32>,
        %get3A_455 = arith.index_cast %add3A_445 : i32 to index
        %get3A_456 = arith.constant 16 : index
        %get3A_457 = tpu.vector_load %arg7[%get3A_455, %get3A_456] {strides = array<i32>} : memref<200x64xf32, #tpu.memory_space<vmem>>, vector<1x16xf32>,
        %get3A_458 = vector.shape_cast %get3A_457 : vector<1x16xf32> to vector<16xf32>
        %swap3A_459 = arith.constant 1 : i32
        %swap3A_460 = arith.index_cast %swap3A_459 : i32 to index
        %swap3A_461 = arith.index_cast %add3A_445 : i32 to index
        %swap3A_462 = arith.constant 16 : index
        %swap3A_463 = tpu.vector_load %arg8[%swap3A_460, %swap3A_461, %swap3A_462] {strides = array<i32>} : memref<4x200x64xf32, #tpu.memory_space<vmem>>, vector<1x1x16xf32>,
        %swap3A_464 = vector.shape_cast %swap3A_463 : vector<1x1x16xf32> to vector<16xf32>
        %swap3A_465 = vector.shape_cast %get3A_458 : vector<16xf32> to vector<1x1x16xf32>
        tpu.vector_store %arg8[%swap3A_460, %swap3A_461, %swap3A_462], %swap3A_465 {add = true, strides = array<i32>} : memref<4x200x64xf32, #tpu.memory_space<vmem>>, vector<1x1x16xf32>,
        %get3A_466 = arith.index_cast %add3A_445 : i32 to index
        %get3A_467 = arith.constant 32 : index
        %get3A_468 = tpu.vector_load %arg7[%get3A_466, %get3A_467] {strides = array<i32>} : memref<200x64xf32, #tpu.memory_space<vmem>>, vector<1x16xf32>,
        %get3A_469 = vector.shape_cast %get3A_468 : vector<1x16xf32> to vector<16xf32>
        %swap3A_470 = arith.constant 1 : i32
        %swap3A_471 = arith.index_cast %swap3A_470 : i32 to index
        %swap3A_472 = arith.index_cast %add3A_445 : i32 to index
        %swap3A_473 = arith.constant 32 : index
        %swap3A_474 = tpu.vector_load %arg8[%swap3A_471, %swap3A_472, %swap3A_473] {strides = array<i32>} : memref<4x200x64xf32, #tpu.memory_space<vmem>>, vector<1x1x16xf32>,
        %swap3A_475 = vector.shape_cast %swap3A_474 : vector<1x1x16xf32> to vector<16xf32>
        %swap3A_476 = vector.shape_cast %get3A_469 : vector<16xf32> to vector<1x1x16xf32>
        tpu.vector_store %arg8[%swap3A_471, %swap3A_472, %swap3A_473], %swap3A_476 {add = true, strides = array<i32>} : memref<4x200x64xf32, #tpu.memory_space<vmem>>, vector<1x1x16xf32>,
        %get3A_477 = arith.index_cast %add3A_445 : i32 to index
        %get3A_478 = arith.constant 48 : index
        %get3A_479 = tpu.vector_load %arg7[%get3A_477, %get3A_478] {strides = array<i32>} : memref<200x64xf32, #tpu.memory_space<vmem>>, vector<1x16xf32>,
        %get3A_480 = vector.shape_cast %get3A_479 : vector<1x16xf32> to vector<16xf32>
        %swap3A_481 = arith.constant 1 : i32
        %swap3A_482 = arith.index_cast %swap3A_481 : i32 to index
        %swap3A_483 = arith.index_cast %add3A_445 : i32 to index
        %swap3A_484 = arith.constant 48 : index
        %swap3A_485 = tpu.vector_load %arg8[%swap3A_482, %swap3A_483, %swap3A_484] {strides = array<i32>} : memref<4x200x64xf32, #tpu.memory_space<vmem>>, vector<1x1x16xf32>,
        %swap3A_486 = vector.shape_cast %swap3A_485 : vector<1x1x16xf32> to vector<16xf32>
        %swap3A_487 = vector.shape_cast %get3A_480 : vector<16xf32> to vector<1x1x16xf32>
        tpu.vector_store %arg8[%swap3A_482, %swap3A_483, %swap3A_484], %swap3A_487 {add = true, strides = array<i32>} : memref<4x200x64xf32, #tpu.memory_space<vmem>>, vector<1x1x16xf32>,
        %scan3A_488 = arith.constant 1 : i32
        %scan3A_489 = arith.addi %scan3A_441, %scan3A_488 : i32
        %mul3A_490 = arith.constant 1 : i32
        %mul3A_491 = arith.muli %scan3A_489, %mul3A_490 : i32
        %add3A_492 = arith.constant 0 : i32
        %add3A_493 = arith.addi %add3A_492, %mul3A_491 : i32
        %get3A_494 = arith.index_cast %add3A_493 : i32 to index
        %get3A_495 = arith.constant 0 : index
        %get3A_496 = tpu.vector_load %arg7[%get3A_494, %get3A_495] {strides = array<i32>} : memref<200x64xf32, #tpu.memory_space<vmem>>, vector<1x16xf32>,
        %get3A_497 = vector.shape_cast %get3A_496 : vector<1x16xf32> to vector<16xf32>
        %swap3A_498 = arith.constant 1 : i32
        %swap3A_499 = arith.index_cast %swap3A_498 : i32 to index
        %swap3A_500 = arith.index_cast %add3A_493 : i32 to index
        %swap3A_501 = arith.constant 0 : index
        %swap3A_502 = tpu.vector_load %arg8[%swap3A_499, %swap3A_500, %swap3A_501] {strides = array<i32>} : memref<4x200x64xf32, #tpu.memory_space<vmem>>, vector<1x1x16xf32>,
        %swap3A_503 = vector.shape_cast %swap3A_502 : vector<1x1x16xf32> to vector<16xf32>
        %swap3A_504 = vector.shape_cast %get3A_497 : vector<16xf32> to vector<1x1x16xf32>
        tpu.vector_store %arg8[%swap3A_499, %swap3A_500, %swap3A_501], %swap3A_504 {add = true, strides = array<i32>} : memref<4x200x64xf32, #tpu.memory_space<vmem>>, vector<1x1x16xf32>,
        %get3A_505 = arith.index_cast %add3A_493 : i32 to index
        %get3A_506 = arith.constant 16 : index
        %get3A_507 = tpu.vector_load %arg7[%get3A_505, %get3A_506] {strides = array<i32>} : memref<200x64xf32, #tpu.memory_space<vmem>>, vector<1x16xf32>,
        %get3A_508 = vector.shape_cast %get3A_507 : vector<1x16xf32> to vector<16xf32>
        %swap3A_509 = arith.constant 1 : i32
        %swap3A_510 = arith.index_cast %swap3A_509 : i32 to index
        %swap3A_511 = arith.index_cast %add3A_493 : i32 to index
        %swap3A_512 = arith.constant 16 : index
        %swap3A_513 = tpu.vector_load %arg8[%swap3A_510, %swap3A_511, %swap3A_512] {strides = array<i32>} : memref<4x200x64xf32, #tpu.memory_space<vmem>>, vector<1x1x16xf32>,
        %swap3A_514 = vector.shape_cast %swap3A_513 : vector<1x1x16xf32> to vector<16xf32>
        %swap3A_515 = vector.shape_cast %get3A_508 : vector<16xf32> to vector<1x1x16xf32>
        tpu.vector_store %arg8[%swap3A_510, %swap3A_511, %swap3A_512], %swap3A_515 {add = true, strides = array<i32>} : memref<4x200x64xf32, #tpu.memory_space<vmem>>, vector<1x1x16xf32>,
        %get3A_516 = arith.index_cast %add3A_493 : i32 to index
        %get3A_517 = arith.constant 32 : index
        %get3A_518 = tpu.vector_load %arg7[%get3A_516, %get3A_517] {strides = array<i32>} : memref<200x64xf32, #tpu.memory_space<vmem>>, vector<1x16xf32>,
        %get3A_519 = vector.shape_cast %get3A_518 : vector<1x16xf32> to vector<16xf32>
        %swap3A_520 = arith.constant 1 : i32
        %swap3A_521 = arith.index_cast %swap3A_520 : i32 to index
        %swap3A_522 = arith.index_cast %add3A_493 : i32 to index
        %swap3A_523 = arith.constant 32 : index
        %swap3A_524 = tpu.vector_load %arg8[%swap3A_521, %swap3A_522, %swap3A_523] {strides = array<i32>} : memref<4x200x64xf32, #tpu.memory_space<vmem>>, vector<1x1x16xf32>,
        %swap3A_525 = vector.shape_cast %swap3A_524 : vector<1x1x16xf32> to vector<16xf32>
        %swap3A_526 = vector.shape_cast %get3A_519 : vector<16xf32> to vector<1x1x16xf32>
        tpu.vector_store %arg8[%swap3A_521, %swap3A_522, %swap3A_523], %swap3A_526 {add = true, strides = array<i32>} : memref<4x200x64xf32, #tpu.memory_space<vmem>>, vector<1x1x16xf32>,
        %get3A_527 = arith.index_cast %add3A_493 : i32 to index
        %get3A_528 = arith.constant 48 : index
        %get3A_529 = tpu.vector_load %arg7[%get3A_527, %get3A_528] {strides = array<i32>} : memref<200x64xf32, #tpu.memory_space<vmem>>, vector<1x16xf32>,
        %get3A_530 = vector.shape_cast %get3A_529 : vector<1x16xf32> to vector<16xf32>
        %swap3A_531 = arith.constant 1 : i32
        %swap3A_532 = arith.index_cast %swap3A_531 : i32 to index
        %swap3A_533 = arith.index_cast %add3A_493 : i32 to index
        %swap3A_534 = arith.constant 48 : index
        %swap3A_535 = tpu.vector_load %arg8[%swap3A_532, %swap3A_533, %swap3A_534] {strides = array<i32>} : memref<4x200x64xf32, #tpu.memory_space<vmem>>, vector<1x1x16xf32>,
        %swap3A_536 = vector.shape_cast %swap3A_535 : vector<1x1x16xf32> to vector<16xf32>
        %swap3A_537 = vector.shape_cast %get3A_530 : vector<16xf32> to vector<1x1x16xf32>
        tpu.vector_store %arg8[%swap3A_532, %swap3A_533, %swap3A_534], %swap3A_537 {add = true, strides = array<i32>} : memref<4x200x64xf32, #tpu.memory_space<vmem>>, vector<1x1x16xf32>,
        %scan3A_538 = arith.constant 2 : i32
        %scan3A_539 = arith.addi %scan3A_441, %scan3A_538 : i32
        %mul3A_540 = arith.constant 1 : i32
        %mul3A_541 = arith.muli %scan3A_539, %mul3A_540 : i32
        %add3A_542 = arith.constant 0 : i32
        %add3A_543 = arith.addi %add3A_542, %mul3A_541 : i32
        %get3A_544 = arith.index_cast %add3A_543 : i32 to index
        %get3A_545 = arith.constant 0 : index
        %get3A_546 = tpu.vector_load %arg7[%get3A_544, %get3A_545] {strides = array<i32>} : memref<200x64xf32, #tpu.memory_space<vmem>>, vector<1x16xf32>,
        %get3A_547 = vector.shape_cast %get3A_546 : vector<1x16xf32> to vector<16xf32>
        %swap3A_548 = arith.constant 1 : i32
        %swap3A_549 = arith.index_cast %swap3A_548 : i32 to index
        %swap3A_550 = arith.index_cast %add3A_543 : i32 to index
        %swap3A_551 = arith.constant 0 : index
        %swap3A_552 = tpu.vector_load %arg8[%swap3A_549, %swap3A_550, %swap3A_551] {strides = array<i32>} : memref<4x200x64xf32, #tpu.memory_space<vmem>>, vector<1x1x16xf32>,
        %swap3A_553 = vector.shape_cast %swap3A_552 : vector<1x1x16xf32> to vector<16xf32>
        %swap3A_554 = vector.shape_cast %get3A_547 : vector<16xf32> to vector<1x1x16xf32>
        tpu.vector_store %arg8[%swap3A_549, %swap3A_550, %swap3A_551], %swap3A_554 {add = true, strides = array<i32>} : memref<4x200x64xf32, #tpu.memory_space<vmem>>, vector<1x1x16xf32>,
        %get3A_555 = arith.index_cast %add3A_543 : i32 to index
        %get3A_556 = arith.constant 16 : index
        %get3A_557 = tpu.vector_load %arg7[%get3A_555, %get3A_556] {strides = array<i32>} : memref<200x64xf32, #tpu.memory_space<vmem>>, vector<1x16xf32>,
        %get3A_558 = vector.shape_cast %get3A_557 : vector<1x16xf32> to vector<16xf32>
        %swap3A_559 = arith.constant 1 : i32
        %swap3A_560 = arith.index_cast %swap3A_559 : i32 to index
        %swap3A_561 = arith.index_cast %add3A_543 : i32 to index
        %swap3A_562 = arith.constant 16 : index
        %swap3A_563 = tpu.vector_load %arg8[%swap3A_560, %swap3A_561, %swap3A_562] {strides = array<i32>} : memref<4x200x64xf32, #tpu.memory_space<vmem>>, vector<1x1x16xf32>,
        %swap3A_564 = vector.shape_cast %swap3A_563 : vector<1x1x16xf32> to vector<16xf32>
        %swap3A_565 = vector.shape_cast %get3A_558 : vector<16xf32> to vector<1x1x16xf32>
        tpu.vector_store %arg8[%swap3A_560, %swap3A_561, %swap3A_562], %swap3A_565 {add = true, strides = array<i32>} : memref<4x200x64xf32, #tpu.memory_space<vmem>>, vector<1x1x16xf32>,
        %get3A_566 = arith.index_cast %add3A_543 : i32 to index
        %get3A_567 = arith.constant 32 : index
        %get3A_568 = tpu.vector_load %arg7[%get3A_566, %get3A_567] {strides = array<i32>} : memref<200x64xf32, #tpu.memory_space<vmem>>, vector<1x16xf32>,
        %get3A_569 = vector.shape_cast %get3A_568 : vector<1x16xf32> to vector<16xf32>
        %swap3A_570 = arith.constant 1 : i32
        %swap3A_571 = arith.index_cast %swap3A_570 : i32 to index
        %swap3A_572 = arith.index_cast %add3A_543 : i32 to index
        %swap3A_573 = arith.constant 32 : index
        %swap3A_574 = tpu.vector_load %arg8[%swap3A_571, %swap3A_572, %swap3A_573] {strides = array<i32>} : memref<4x200x64xf32, #tpu.memory_space<vmem>>, vector<1x1x16xf32>,
        %swap3A_575 = vector.shape_cast %swap3A_574 : vector<1x1x16xf32> to vector<16xf32>
        %swap3A_576 = vector.shape_cast %get3A_569 : vector<16xf32> to vector<1x1x16xf32>
        tpu.vector_store %arg8[%swap3A_571, %swap3A_572, %swap3A_573], %swap3A_576 {add = true, strides = array<i32>} : memref<4x200x64xf32, #tpu.memory_space<vmem>>, vector<1x1x16xf32>,
        %get3A_577 = arith.index_cast %add3A_543 : i32 to index
        %get3A_578 = arith.constant 48 : index
        %get3A_579 = tpu.vector_load %arg7[%get3A_577, %get3A_578] {strides = array<i32>} : memref<200x64xf32, #tpu.memory_space<vmem>>, vector<1x16xf32>,
        %get3A_580 = vector.shape_cast %get3A_579 : vector<1x16xf32> to vector<16xf32>
        %swap3A_581 = arith.constant 1 : i32
        %swap3A_582 = arith.index_cast %swap3A_581 : i32 to index
        %swap3A_583 = arith.index_cast %add3A_543 : i32 to index
        %swap3A_584 = arith.constant 48 : index
        %swap3A_585 = tpu.vector_load %arg8[%swap3A_582, %swap3A_583, %swap3A_584] {strides = array<i32>} : memref<4x200x64xf32, #tpu.memory_space<vmem>>, vector<1x1x16xf32>,
        %swap3A_586 = vector.shape_cast %swap3A_585 : vector<1x1x16xf32> to vector<16xf32>
        %swap3A_587 = vector.shape_cast %get3A_580 : vector<16xf32> to vector<1x1x16xf32>
        tpu.vector_store %arg8[%swap3A_582, %swap3A_583, %swap3A_584], %swap3A_587 {add = true, strides = array<i32>} : memref<4x200x64xf32, #tpu.memory_space<vmem>>, vector<1x1x16xf32>,
        %scan3A_588 = arith.constant 3 : i32
        %scan3A_589 = arith.addi %scan3A_441, %scan3A_588 : i32
        %mul3A_590 = arith.constant 1 : i32
        %mul3A_591 = arith.muli %scan3A_589, %mul3A_590 : i32
        %add3A_592 = arith.constant 0 : i32
        %add3A_593 = arith.addi %add3A_592, %mul3A_591 : i32
        %get3A_594 = arith.index_cast %add3A_593 : i32 to index
        %get3A_595 = arith.constant 0 : index
        %get3A_596 = tpu.vector_load %arg7[%get3A_594, %get3A_595] {strides = array<i32>} : memref<200x64xf32, #tpu.memory_space<vmem>>, vector<1x16xf32>,
        %get3A_597 = vector.shape_cast %get3A_596 : vector<1x16xf32> to vector<16xf32>
        %swap3A_598 = arith.constant 1 : i32
        %swap3A_599 = arith.index_cast %swap3A_598 : i32 to index
        %swap3A_600 = arith.index_cast %add3A_593 : i32 to index
        %swap3A_601 = arith.constant 0 : index
        %swap3A_602 = tpu.vector_load %arg8[%swap3A_599, %swap3A_600, %swap3A_601] {strides = array<i32>} : memref<4x200x64xf32, #tpu.memory_space<vmem>>, vector<1x1x16xf32>,
        %swap3A_603 = vector.shape_cast %swap3A_602 : vector<1x1x16xf32> to vector<16xf32>
        %swap3A_604 = vector.shape_cast %get3A_597 : vector<16xf32> to vector<1x1x16xf32>
        tpu.vector_store %arg8[%swap3A_599, %swap3A_600, %swap3A_601], %swap3A_604 {add = true, strides = array<i32>} : memref<4x200x64xf32, #tpu.memory_space<vmem>>, vector<1x1x16xf32>,
        %get3A_605 = arith.index_cast %add3A_593 : i32 to index
        %get3A_606 = arith.constant 16 : index
        %get3A_607 = tpu.vector_load %arg7[%get3A_605, %get3A_606] {strides = array<i32>} : memref<200x64xf32, #tpu.memory_space<vmem>>, vector<1x16xf32>,
        %get3A_608 = vector.shape_cast %get3A_607 : vector<1x16xf32> to vector<16xf32>
        %swap3A_609 = arith.constant 1 : i32
        %swap3A_610 = arith.index_cast %swap3A_609 : i32 to index
        %swap3A_611 = arith.index_cast %add3A_593 : i32 to index
        %swap3A_612 = arith.constant 16 : index
        %swap3A_613 = tpu.vector_load %arg8[%swap3A_610, %swap3A_611, %swap3A_612] {strides = array<i32>} : memref<4x200x64xf32, #tpu.memory_space<vmem>>, vector<1x1x16xf32>,
        %swap3A_614 = vector.shape_cast %swap3A_613 : vector<1x1x16xf32> to vector<16xf32>
        %swap3A_615 = vector.shape_cast %get3A_608 : vector<16xf32> to vector<1x1x16xf32>
        tpu.vector_store %arg8[%swap3A_610, %swap3A_611, %swap3A_612], %swap3A_615 {add = true, strides = array<i32>} : memref<4x200x64xf32, #tpu.memory_space<vmem>>, vector<1x1x16xf32>,
        %get3A_616 = arith.index_cast %add3A_593 : i32 to index
        %get3A_617 = arith.constant 32 : index
        %get3A_618 = tpu.vector_load %arg7[%get3A_616, %get3A_617] {strides = array<i32>} : memref<200x64xf32, #tpu.memory_space<vmem>>, vector<1x16xf32>,
        %get3A_619 = vector.shape_cast %get3A_618 : vector<1x16xf32> to vector<16xf32>
        %swap3A_620 = arith.constant 1 : i32
        %swap3A_621 = arith.index_cast %swap3A_620 : i32 to index
        %swap3A_622 = arith.index_cast %add3A_593 : i32 to index
        %swap3A_623 = arith.constant 32 : index
        %swap3A_624 = tpu.vector_load %arg8[%swap3A_621, %swap3A_622, %swap3A_623] {strides = array<i32>} : memref<4x200x64xf32, #tpu.memory_space<vmem>>, vector<1x1x16xf32>,
        %swap3A_625 = vector.shape_cast %swap3A_624 : vector<1x1x16xf32> to vector<16xf32>
        %swap3A_626 = vector.shape_cast %get3A_619 : vector<16xf32> to vector<1x1x16xf32>
        tpu.vector_store %arg8[%swap3A_621, %swap3A_622, %swap3A_623], %swap3A_626 {add = true, strides = array<i32>} : memref<4x200x64xf32, #tpu.memory_space<vmem>>, vector<1x1x16xf32>,
        %get3A_627 = arith.index_cast %add3A_593 : i32 to index
        %get3A_628 = arith.constant 48 : index
        %get3A_629 = tpu.vector_load %arg7[%get3A_627, %get3A_628] {strides = array<i32>} : memref<200x64xf32, #tpu.memory_space<vmem>>, vector<1x16xf32>,
        %get3A_630 = vector.shape_cast %get3A_629 : vector<1x16xf32> to vector<16xf32>
        %swap3A_631 = arith.constant 1 : i32
        %swap3A_632 = arith.index_cast %swap3A_631 : i32 to index
        %swap3A_633 = arith.index_cast %add3A_593 : i32 to index
        %swap3A_634 = arith.constant 48 : index
        %swap3A_635 = tpu.vector_load %arg8[%swap3A_632, %swap3A_633, %swap3A_634] {strides = array<i32>} : memref<4x200x64xf32, #tpu.memory_space<vmem>>, vector<1x1x16xf32>,
        %swap3A_636 = vector.shape_cast %swap3A_635 : vector<1x1x16xf32> to vector<16xf32>
        %swap3A_637 = vector.shape_cast %get3A_630 : vector<16xf32> to vector<1x1x16xf32>
        tpu.vector_store %arg8[%swap3A_632, %swap3A_633, %swap3A_634], %swap3A_637 {add = true, strides = array<i32>} : memref<4x200x64xf32, #tpu.memory_space<vmem>>, vector<1x1x16xf32>,
      }
      %scan3A_282 = arith.constant 200 : i32
      %add3A_283 = arith.addi %mul3A_2, %add3A_247 : i32
      %dma_start3A_284 = arith.constant 1 : i32
      %dma_start3A_285 = arith.constant 1 : i32
      %dma_start3A_286 = arith.constant 0 : i32
      %dma_start3A_287 = arith.constant 0 : i32
      %dma_start3A_288 = tpu.memref_slice %arg8[%dma_start3A_284, %dma_start3A_286, %dma_start3A_287] : memref<4x200x64xf32, #tpu.memory_space<vmem>> -> memref<1x200x64xf32, #tpu.memory_space<vmem>>
      %dma_start3A_289 = tpu.memref_squeeze %dma_start3A_288 : memref<1x200x64xf32, #tpu.memory_space<vmem>> -> memref<200x64xf32, #tpu.memory_space<vmem>>
      %dma_start3A_290 = arith.constant 0 : i32
      %dma_start3A_291 = arith.constant 0 : i32
      %dma_start3A_292 = tpu.memref_slice %arg5[%add3A_283, %dma_start3A_290, %dma_start3A_291] : memref<1024x200x64xf32, #tpu.memory_space<hbm>> -> memref<1x200x64xf32, #tpu.memory_space<hbm>>
      %dma_start3A_293 = tpu.memref_squeeze %dma_start3A_292 : memref<1x200x64xf32, #tpu.memory_space<hbm>> -> memref<200x64xf32, #tpu.memory_space<hbm>>
      %dma_start3A_294 = tpu.memref_slice %arg10[%dma_start3A_285] : memref<4x!tpu.dma_semaphore, #tpu.memory_space<semaphore_mem>> -> memref<1x!tpu.dma_semaphore, #tpu.memory_space<semaphore_mem>>
      %dma_start3A_295 = tpu.memref_squeeze %dma_start3A_294 : memref<1x!tpu.dma_semaphore, #tpu.memory_space<semaphore_mem>> -> memref<!tpu.dma_semaphore, #tpu.memory_space<semaphore_mem>>
      %dma_start3A_296 = arith.constant 0 : i32
      %dma_start3A_297 = arith.constant 0 : i32
      %dma_start3A_298 = tpu.memref_slice %arg5[%add3A_283, %dma_start3A_296, %dma_start3A_297] : memref<1024x200x64xf32, #tpu.memory_space<hbm>> -> memref<1x200x64xf32, #tpu.memory_space<hbm>>
      %dma_start3A_299 = tpu.memref_squeeze %dma_start3A_298 : memref<1x200x64xf32, #tpu.memory_space<hbm>> -> memref<200x64xf32, #tpu.memory_space<hbm>>
      %dma_start3A_300 = arith.constant 0 : i32
      %dma_start3A_301 = arith.constant 0 : i32
      %dma_start3A_302 = tpu.memref_slice %arg8[%dma_start3A_284, %dma_start3A_300, %dma_start3A_301] : memref<4x200x64xf32, #tpu.memory_space<vmem>> -> memref<1x200x64xf32, #tpu.memory_space<vmem>>
      %dma_start3A_303 = tpu.memref_squeeze %dma_start3A_302 : memref<1x200x64xf32, #tpu.memory_space<vmem>> -> memref<200x64xf32, #tpu.memory_space<vmem>>
      tpu.enqueue_dma source(%dma_start3A_303 : memref<200x64xf32, #tpu.memory_space<vmem>>) target(%dma_start3A_299 : memref<200x64xf32, #tpu.memory_space<hbm>>) target_semaphore(%dma_start3A_295 : memref<!tpu.dma_semaphore, #tpu.memory_space<semaphore_mem>>)
      %add3A_304 = arith.constant 3 : i32
      %add3A_305 = arith.addi %add3A_247, %add3A_304 : i32
      %lt3A_306 = arith.constant 32 : i32
      %lt3A_307 = arith.cmpi slt, %add3A_305, %lt3A_306 : i32
      %convert_element_type3A_308 = arith.extui %lt3A_307 : i1 to i32
      %cond3A_309 = arith.constant 0 : i32
      %cond3A_310 = arith.cmpi ne, %convert_element_type3A_308, %cond3A_309 : i32
      scf.if %cond3A_310 {
        %ge3A = arith.constant 4 : i32
        %ge3A_441 = arith.cmpi sge, %add3A_305, %ge3A : i32
        %convert_element_type3A_442 = arith.extui %ge3A_441 : i1 to i32
        %cond3A_443 = arith.constant 0 : i32
        %cond3A_444 = arith.cmpi ne, %convert_element_type3A_442, %cond3A_443 : i32
        scf.if %cond3A_444 {
          %dma_wait3A_473 = arith.constant 0 : i32
          %dma_wait3A_474 = arith.constant 0 : i32
          %dma_wait3A_475 = arith.constant 0 : i32
          %dma_wait3A_476 = arith.constant 0 : i32
          %dma_wait3A_477 = arith.constant 0 : i32
          %dma_wait3A_478 = tpu.memref_slice %arg8[%dma_wait3A_473, %dma_wait3A_476, %dma_wait3A_477] : memref<4x200x64xf32, #tpu.memory_space<vmem>> -> memref<1x200x64xf32, #tpu.memory_space<vmem>>
          %dma_wait3A_479 = tpu.memref_squeeze %dma_wait3A_478 : memref<1x200x64xf32, #tpu.memory_space<vmem>> -> memref<200x64xf32, #tpu.memory_space<vmem>>
          %dma_wait3A_480 = arith.constant 0 : i32
          %dma_wait3A_481 = arith.constant 0 : i32
          %dma_wait3A_482 = tpu.memref_slice %arg5[%dma_wait3A_474, %dma_wait3A_480, %dma_wait3A_481] : memref<1024x200x64xf32, #tpu.memory_space<hbm>> -> memref<1x200x64xf32, #tpu.memory_space<hbm>>
          %dma_wait3A_483 = tpu.memref_squeeze %dma_wait3A_482 : memref<1x200x64xf32, #tpu.memory_space<hbm>> -> memref<200x64xf32, #tpu.memory_space<hbm>>
          %dma_wait3A_484 = tpu.memref_slice %arg10[%dma_wait3A_475] : memref<4x!tpu.dma_semaphore, #tpu.memory_space<semaphore_mem>> -> memref<1x!tpu.dma_semaphore, #tpu.memory_space<semaphore_mem>>
          %dma_wait3A_485 = tpu.memref_squeeze %dma_wait3A_484 : memref<1x!tpu.dma_semaphore, #tpu.memory_space<semaphore_mem>> -> memref<!tpu.dma_semaphore, #tpu.memory_space<semaphore_mem>>
          %dma_wait3A_486 = arith.constant 0 : i32
          %dma_wait3A_487 = arith.constant 0 : i32
          %dma_wait3A_488 = tpu.memref_slice %arg5[%dma_wait3A_474, %dma_wait3A_486, %dma_wait3A_487] : memref<1024x200x64xf32, #tpu.memory_space<hbm>> -> memref<1x200x64xf32, #tpu.memory_space<hbm>>
          %dma_wait3A_489 = tpu.memref_squeeze %dma_wait3A_488 : memref<1x200x64xf32, #tpu.memory_space<hbm>> -> memref<200x64xf32, #tpu.memory_space<hbm>>
          %dma_wait3A_490 = arith.constant 0 : i32
          %dma_wait3A_491 = arith.constant 0 : i32
          %dma_wait3A_492 = tpu.memref_slice %arg8[%dma_wait3A_473, %dma_wait3A_490, %dma_wait3A_491] : memref<4x200x64xf32, #tpu.memory_space<vmem>> -> memref<1x200x64xf32, #tpu.memory_space<vmem>>
          %dma_wait3A_493 = tpu.memref_squeeze %dma_wait3A_492 : memref<1x200x64xf32, #tpu.memory_space<vmem>> -> memref<200x64xf32, #tpu.memory_space<vmem>>
          tpu.wait_dma2 semaphore(%dma_wait3A_485 : memref<!tpu.dma_semaphore, #tpu.memory_space<semaphore_mem>>) src(%dma_wait3A_493 : memref<200x64xf32, #tpu.memory_space<vmem>>) dst(%dma_wait3A_489 : memref<200x64xf32, #tpu.memory_space<hbm>>)
        } else {
        }
        %dma_start3A_445 = arith.constant 0 : i32
        %dma_start3A_446 = arith.constant 0 : i32
        %dma_start3A_447 = arith.constant 0 : i32
        %dma_start3A_448 = arith.constant 0 : i32
        %dma_start3A_449 = tpu.memref_slice %arg8[%dma_start3A_445, %dma_start3A_447, %dma_start3A_448] : memref<4x200x64xf32, #tpu.memory_space<vmem>> -> memref<1x104x64xf32, #tpu.memory_space<vmem>>
        %dma_start3A_450 = tpu.memref_squeeze %dma_start3A_449 : memref<1x104x64xf32, #tpu.memory_space<vmem>> -> memref<104x64xf32, #tpu.memory_space<vmem>>
        %dma_start3A_451 = arith.constant 0 : i32
        %dma_start3A_452 = tpu.memref_slice %arg6[%add3A_305, %dma_start3A_451] : memref<32x200xi32, #tpu.memory_space<vmem>> -> memref<1x104xi32, #tpu.memory_space<vmem>>
        %dma_start3A_453 = tpu.memref_squeeze %dma_start3A_452 : memref<1x104xi32, #tpu.memory_space<vmem>> -> memref<104xi32, #tpu.memory_space<vmem>>
        %dma_start3A_454 = arith.constant 0 : i32
        %dma_start3A_455 = arith.constant 0 : i32
        %dma_start3A_456 = tpu.memref_slice %arg3[%dma_start3A_454, %dma_start3A_455] : memref<1000000x64xf32, #tpu.memory_space<hbm>> -> memref<1000000x64xf32, #tpu.memory_space<hbm>>
        %dma_start3A_457 = tpu.memref_slice %arg9[%dma_start3A_446] : memref<4x!tpu.dma_semaphore, #tpu.memory_space<semaphore_mem>> -> memref<1x!tpu.dma_semaphore, #tpu.memory_space<semaphore_mem>>
        %dma_start3A_458 = tpu.memref_squeeze %dma_start3A_457 : memref<1x!tpu.dma_semaphore, #tpu.memory_space<semaphore_mem>> -> memref<!tpu.dma_semaphore, #tpu.memory_space<semaphore_mem>>
        tpu.enqueue_indirect_dma source(%dma_start3A_456 : memref<1000000x64xf32, #tpu.memory_space<hbm>>) target(%dma_start3A_450 : memref<104x64xf32, #tpu.memory_space<vmem>>) offsets(%dma_start3A_453 : memref<104xi32, #tpu.memory_space<vmem>>) semaphore(%dma_start3A_458 : memref<!tpu.dma_semaphore, #tpu.memory_space<semaphore_mem>>)
        %dma_start3A_459 = arith.constant 0 : i32
        %dma_start3A_460 = arith.constant 0 : i32
        %dma_start3A_461 = arith.constant 104 : i32
        %dma_start3A_462 = arith.constant 0 : i32
        %dma_start3A_463 = tpu.memref_slice %arg8[%dma_start3A_459, %dma_start3A_461, %dma_start3A_462] : memref<4x200x64xf32, #tpu.memory_space<vmem>> -> memref<1x96x64xf32, #tpu.memory_space<vmem>>
        %dma_start3A_464 = tpu.memref_squeeze %dma_start3A_463 : memref<1x96x64xf32, #tpu.memory_space<vmem>> -> memref<96x64xf32, #tpu.memory_space<vmem>>
        %dma_start3A_465 = arith.constant 104 : i32
        %dma_start3A_466 = tpu.memref_slice %arg6[%add3A_305, %dma_start3A_465] : memref<32x200xi32, #tpu.memory_space<vmem>> -> memref<1x96xi32, #tpu.memory_space<vmem>>
        %dma_start3A_467 = tpu.memref_squeeze %dma_start3A_466 : memref<1x96xi32, #tpu.memory_space<vmem>> -> memref<96xi32, #tpu.memory_space<vmem>>
        %dma_start3A_468 = arith.constant 0 : i32
        %dma_start3A_469 = arith.constant 0 : i32
        %dma_start3A_470 = tpu.memref_slice %arg3[%dma_start3A_468, %dma_start3A_469] : memref<1000000x64xf32, #tpu.memory_space<hbm>> -> memref<1000000x64xf32, #tpu.memory_space<hbm>>
        %dma_start3A_471 = tpu.memref_slice %arg9[%dma_start3A_460] : memref<4x!tpu.dma_semaphore, #tpu.memory_space<semaphore_mem>> -> memref<1x!tpu.dma_semaphore, #tpu.memory_space<semaphore_mem>>
        %dma_start3A_472 = tpu.memref_squeeze %dma_start3A_471 : memref<1x!tpu.dma_semaphore, #tpu.memory_space<semaphore_mem>> -> memref<!tpu.dma_semaphore, #tpu.memory_space<semaphore_mem>>
        tpu.enqueue_indirect_dma source(%dma_start3A_470 : memref<1000000x64xf32, #tpu.memory_space<hbm>>) target(%dma_start3A_464 : memref<96x64xf32, #tpu.memory_space<vmem>>) offsets(%dma_start3A_467 : memref<96xi32, #tpu.memory_space<vmem>>) semaphore(%dma_start3A_472 : memref<!tpu.dma_semaphore, #tpu.memory_space<semaphore_mem>>)
      } else {
      }
      %add3A_311 = arith.constant 2 : i32
      %add3A_312 = arith.addi %add3A_183, %add3A_311 : i32
      %dma_wait3A_313 = arith.constant 0 : i32
      %dma_wait3A_314 = arith.constant 2 : i32
      %dma_wait3A_315 = arith.constant 2 : i32
      %dma_wait3A_316 = arith.constant 0 : i32
      %dma_wait3A_317 = arith.constant 0 : i32
      %dma_wait3A_318 = tpu.memref_slice %arg8[%dma_wait3A_314, %dma_wait3A_316, %dma_wait3A_317] : memref<4x200x64xf32, #tpu.memory_space<vmem>> -> memref<1x104x64xf32, #tpu.memory_space<vmem>>
      %dma_wait3A_319 = tpu.memref_squeeze %dma_wait3A_318 : memref<1x104x64xf32, #tpu.memory_space<vmem>> -> memref<104x64xf32, #tpu.memory_space<vmem>>
      %dma_wait3A_320 = arith.constant 0 : i32
      %dma_wait3A_321 = tpu.memref_slice %arg6[%dma_wait3A_313, %dma_wait3A_320] : memref<32x200xi32, #tpu.memory_space<vmem>> -> memref<1x104xi32, #tpu.memory_space<vmem>>
      %dma_wait3A_322 = tpu.memref_squeeze %dma_wait3A_321 : memref<1x104xi32, #tpu.memory_space<vmem>> -> memref<104xi32, #tpu.memory_space<vmem>>
      %dma_wait3A_323 = arith.constant 0 : i32
      %dma_wait3A_324 = arith.constant 0 : i32
      %dma_wait3A_325 = tpu.memref_slice %arg3[%dma_wait3A_323, %dma_wait3A_324] : memref<1000000x64xf32, #tpu.memory_space<hbm>> -> memref<1000000x64xf32, #tpu.memory_space<hbm>>
      %dma_wait3A_326 = tpu.memref_slice %arg9[%dma_wait3A_315] : memref<4x!tpu.dma_semaphore, #tpu.memory_space<semaphore_mem>> -> memref<1x!tpu.dma_semaphore, #tpu.memory_space<semaphore_mem>>
      %dma_wait3A_327 = tpu.memref_squeeze %dma_wait3A_326 : memref<1x!tpu.dma_semaphore, #tpu.memory_space<semaphore_mem>> -> memref<!tpu.dma_semaphore, #tpu.memory_space<semaphore_mem>>
      tpu.wait_indirect_dma semaphore(%dma_wait3A_327 : memref<!tpu.dma_semaphore, #tpu.memory_space<semaphore_mem>>) src(%dma_wait3A_325 : memref<1000000x64xf32, #tpu.memory_space<hbm>>) dst(%dma_wait3A_319 : memref<104x64xf32, #tpu.memory_space<vmem>>)
      %dma_wait3A_328 = arith.constant 0 : i32
      %dma_wait3A_329 = arith.constant 2 : i32
      %dma_wait3A_330 = arith.constant 2 : i32
      %dma_wait3A_331 = arith.constant 104 : i32
      %dma_wait3A_332 = arith.constant 0 : i32
      %dma_wait3A_333 = tpu.memref_slice %arg8[%dma_wait3A_329, %dma_wait3A_331, %dma_wait3A_332] : memref<4x200x64xf32, #tpu.memory_space<vmem>> -> memref<1x96x64xf32, #tpu.memory_space<vmem>>
      %dma_wait3A_334 = tpu.memref_squeeze %dma_wait3A_333 : memref<1x96x64xf32, #tpu.memory_space<vmem>> -> memref<96x64xf32, #tpu.memory_space<vmem>>
      %dma_wait3A_335 = arith.constant 0 : i32
      %dma_wait3A_336 = tpu.memref_slice %arg6[%dma_wait3A_328, %dma_wait3A_335] : memref<32x200xi32, #tpu.memory_space<vmem>> -> memref<1x96xi32, #tpu.memory_space<vmem>>
      %dma_wait3A_337 = tpu.memref_squeeze %dma_wait3A_336 : memref<1x96xi32, #tpu.memory_space<vmem>> -> memref<96xi32, #tpu.memory_space<vmem>>
      %dma_wait3A_338 = arith.constant 0 : i32
      %dma_wait3A_339 = arith.constant 0 : i32
      %dma_wait3A_340 = tpu.memref_slice %arg3[%dma_wait3A_338, %dma_wait3A_339] : memref<1000000x64xf32, #tpu.memory_space<hbm>> -> memref<1000000x64xf32, #tpu.memory_space<hbm>>
      %dma_wait3A_341 = tpu.memref_slice %arg9[%dma_wait3A_330] : memref<4x!tpu.dma_semaphore, #tpu.memory_space<semaphore_mem>> -> memref<1x!tpu.dma_semaphore, #tpu.memory_space<semaphore_mem>>
      %dma_wait3A_342 = tpu.memref_squeeze %dma_wait3A_341 : memref<1x!tpu.dma_semaphore, #tpu.memory_space<semaphore_mem>> -> memref<!tpu.dma_semaphore, #tpu.memory_space<semaphore_mem>>
      tpu.wait_indirect_dma semaphore(%dma_wait3A_342 : memref<!tpu.dma_semaphore, #tpu.memory_space<semaphore_mem>>) src(%dma_wait3A_340 : memref<1000000x64xf32, #tpu.memory_space<hbm>>) dst(%dma_wait3A_334 : memref<96x64xf32, #tpu.memory_space<vmem>>)
      %scan3A_343 = arith.constant 0 : i32
      %scan3A_344 = arith.constant 200 : i32
      %scan3A_345 = arith.addi %scan3A_343, %scan3A_344 : i32
      %scan3A_346 = arith.constant 4 : i32
      scf.for %scan3A_441 = %scan3A_343 to %scan3A_345 step %scan3A_346  : i32 {
        %mul3A_442 = arith.constant 1 : i32
        %mul3A_443 = arith.muli %scan3A_441, %mul3A_442 : i32
        %add3A_444 = arith.constant 0 : i32
        %add3A_445 = arith.addi %add3A_444, %mul3A_443 : i32
        %get3A = arith.index_cast %add3A_445 : i32 to index
        %get3A_446 = arith.constant 0 : index
        %get3A_447 = tpu.vector_load %arg7[%get3A, %get3A_446] {strides = array<i32>} : memref<200x64xf32, #tpu.memory_space<vmem>>, vector<1x16xf32>,
        %get3A_448 = vector.shape_cast %get3A_447 : vector<1x16xf32> to vector<16xf32>
        %swap3A = arith.constant 2 : i32
        %swap3A_449 = arith.index_cast %swap3A : i32 to index
        %swap3A_450 = arith.index_cast %add3A_445 : i32 to index
        %swap3A_451 = arith.constant 0 : index
        %swap3A_452 = tpu.vector_load %arg8[%swap3A_449, %swap3A_450, %swap3A_451] {strides = array<i32>} : memref<4x200x64xf32, #tpu.memory_space<vmem>>, vector<1x1x16xf32>,
        %swap3A_453 = vector.shape_cast %swap3A_452 : vector<1x1x16xf32> to vector<16xf32>
        %swap3A_454 = vector.shape_cast %get3A_448 : vector<16xf32> to vector<1x1x16xf32>
        tpu.vector_store %arg8[%swap3A_449, %swap3A_450, %swap3A_451], %swap3A_454 {add = true, strides = array<i32>} : memref<4x200x64xf32, #tpu.memory_space<vmem>>, vector<1x1x16xf32>,
        %get3A_455 = arith.index_cast %add3A_445 : i32 to index
        %get3A_456 = arith.constant 16 : index
        %get3A_457 = tpu.vector_load %arg7[%get3A_455, %get3A_456] {strides = array<i32>} : memref<200x64xf32, #tpu.memory_space<vmem>>, vector<1x16xf32>,
        %get3A_458 = vector.shape_cast %get3A_457 : vector<1x16xf32> to vector<16xf32>
        %swap3A_459 = arith.constant 2 : i32
        %swap3A_460 = arith.index_cast %swap3A_459 : i32 to index
        %swap3A_461 = arith.index_cast %add3A_445 : i32 to index
        %swap3A_462 = arith.constant 16 : index
        %swap3A_463 = tpu.vector_load %arg8[%swap3A_460, %swap3A_461, %swap3A_462] {strides = array<i32>} : memref<4x200x64xf32, #tpu.memory_space<vmem>>, vector<1x1x16xf32>,
        %swap3A_464 = vector.shape_cast %swap3A_463 : vector<1x1x16xf32> to vector<16xf32>
        %swap3A_465 = vector.shape_cast %get3A_458 : vector<16xf32> to vector<1x1x16xf32>
        tpu.vector_store %arg8[%swap3A_460, %swap3A_461, %swap3A_462], %swap3A_465 {add = true, strides = array<i32>} : memref<4x200x64xf32, #tpu.memory_space<vmem>>, vector<1x1x16xf32>,
        %get3A_466 = arith.index_cast %add3A_445 : i32 to index
        %get3A_467 = arith.constant 32 : index
        %get3A_468 = tpu.vector_load %arg7[%get3A_466, %get3A_467] {strides = array<i32>} : memref<200x64xf32, #tpu.memory_space<vmem>>, vector<1x16xf32>,
        %get3A_469 = vector.shape_cast %get3A_468 : vector<1x16xf32> to vector<16xf32>
        %swap3A_470 = arith.constant 2 : i32
        %swap3A_471 = arith.index_cast %swap3A_470 : i32 to index
        %swap3A_472 = arith.index_cast %add3A_445 : i32 to index
        %swap3A_473 = arith.constant 32 : index
        %swap3A_474 = tpu.vector_load %arg8[%swap3A_471, %swap3A_472, %swap3A_473] {strides = array<i32>} : memref<4x200x64xf32, #tpu.memory_space<vmem>>, vector<1x1x16xf32>,
        %swap3A_475 = vector.shape_cast %swap3A_474 : vector<1x1x16xf32> to vector<16xf32>
        %swap3A_476 = vector.shape_cast %get3A_469 : vector<16xf32> to vector<1x1x16xf32>
        tpu.vector_store %arg8[%swap3A_471, %swap3A_472, %swap3A_473], %swap3A_476 {add = true, strides = array<i32>} : memref<4x200x64xf32, #tpu.memory_space<vmem>>, vector<1x1x16xf32>,
        %get3A_477 = arith.index_cast %add3A_445 : i32 to index
        %get3A_478 = arith.constant 48 : index
        %get3A_479 = tpu.vector_load %arg7[%get3A_477, %get3A_478] {strides = array<i32>} : memref<200x64xf32, #tpu.memory_space<vmem>>, vector<1x16xf32>,
        %get3A_480 = vector.shape_cast %get3A_479 : vector<1x16xf32> to vector<16xf32>
        %swap3A_481 = arith.constant 2 : i32
        %swap3A_482 = arith.index_cast %swap3A_481 : i32 to index
        %swap3A_483 = arith.index_cast %add3A_445 : i32 to index
        %swap3A_484 = arith.constant 48 : index
        %swap3A_485 = tpu.vector_load %arg8[%swap3A_482, %swap3A_483, %swap3A_484] {strides = array<i32>} : memref<4x200x64xf32, #tpu.memory_space<vmem>>, vector<1x1x16xf32>,
        %swap3A_486 = vector.shape_cast %swap3A_485 : vector<1x1x16xf32> to vector<16xf32>
        %swap3A_487 = vector.shape_cast %get3A_480 : vector<16xf32> to vector<1x1x16xf32>
        tpu.vector_store %arg8[%swap3A_482, %swap3A_483, %swap3A_484], %swap3A_487 {add = true, strides = array<i32>} : memref<4x200x64xf32, #tpu.memory_space<vmem>>, vector<1x1x16xf32>,
        %scan3A_488 = arith.constant 1 : i32
        %scan3A_489 = arith.addi %scan3A_441, %scan3A_488 : i32
        %mul3A_490 = arith.constant 1 : i32
        %mul3A_491 = arith.muli %scan3A_489, %mul3A_490 : i32
        %add3A_492 = arith.constant 0 : i32
        %add3A_493 = arith.addi %add3A_492, %mul3A_491 : i32
        %get3A_494 = arith.index_cast %add3A_493 : i32 to index
        %get3A_495 = arith.constant 0 : index
        %get3A_496 = tpu.vector_load %arg7[%get3A_494, %get3A_495] {strides = array<i32>} : memref<200x64xf32, #tpu.memory_space<vmem>>, vector<1x16xf32>,
        %get3A_497 = vector.shape_cast %get3A_496 : vector<1x16xf32> to vector<16xf32>
        %swap3A_498 = arith.constant 2 : i32
        %swap3A_499 = arith.index_cast %swap3A_498 : i32 to index
        %swap3A_500 = arith.index_cast %add3A_493 : i32 to index
        %swap3A_501 = arith.constant 0 : index
        %swap3A_502 = tpu.vector_load %arg8[%swap3A_499, %swap3A_500, %swap3A_501] {strides = array<i32>} : memref<4x200x64xf32, #tpu.memory_space<vmem>>, vector<1x1x16xf32>,
        %swap3A_503 = vector.shape_cast %swap3A_502 : vector<1x1x16xf32> to vector<16xf32>
        %swap3A_504 = vector.shape_cast %get3A_497 : vector<16xf32> to vector<1x1x16xf32>
        tpu.vector_store %arg8[%swap3A_499, %swap3A_500, %swap3A_501], %swap3A_504 {add = true, strides = array<i32>} : memref<4x200x64xf32, #tpu.memory_space<vmem>>, vector<1x1x16xf32>,
        %get3A_505 = arith.index_cast %add3A_493 : i32 to index
        %get3A_506 = arith.constant 16 : index
        %get3A_507 = tpu.vector_load %arg7[%get3A_505, %get3A_506] {strides = array<i32>} : memref<200x64xf32, #tpu.memory_space<vmem>>, vector<1x16xf32>,
        %get3A_508 = vector.shape_cast %get3A_507 : vector<1x16xf32> to vector<16xf32>
        %swap3A_509 = arith.constant 2 : i32
        %swap3A_510 = arith.index_cast %swap3A_509 : i32 to index
        %swap3A_511 = arith.index_cast %add3A_493 : i32 to index
        %swap3A_512 = arith.constant 16 : index
        %swap3A_513 = tpu.vector_load %arg8[%swap3A_510, %swap3A_511, %swap3A_512] {strides = array<i32>} : memref<4x200x64xf32, #tpu.memory_space<vmem>>, vector<1x1x16xf32>,
        %swap3A_514 = vector.shape_cast %swap3A_513 : vector<1x1x16xf32> to vector<16xf32>
        %swap3A_515 = vector.shape_cast %get3A_508 : vector<16xf32> to vector<1x1x16xf32>
        tpu.vector_store %arg8[%swap3A_510, %swap3A_511, %swap3A_512], %swap3A_515 {add = true, strides = array<i32>} : memref<4x200x64xf32, #tpu.memory_space<vmem>>, vector<1x1x16xf32>,
        %get3A_516 = arith.index_cast %add3A_493 : i32 to index
        %get3A_517 = arith.constant 32 : index
        %get3A_518 = tpu.vector_load %arg7[%get3A_516, %get3A_517] {strides = array<i32>} : memref<200x64xf32, #tpu.memory_space<vmem>>, vector<1x16xf32>,
        %get3A_519 = vector.shape_cast %get3A_518 : vector<1x16xf32> to vector<16xf32>
        %swap3A_520 = arith.constant 2 : i32
        %swap3A_521 = arith.index_cast %swap3A_520 : i32 to index
        %swap3A_522 = arith.index_cast %add3A_493 : i32 to index
        %swap3A_523 = arith.constant 32 : index
        %swap3A_524 = tpu.vector_load %arg8[%swap3A_521, %swap3A_522, %swap3A_523] {strides = array<i32>} : memref<4x200x64xf32, #tpu.memory_space<vmem>>, vector<1x1x16xf32>,
        %swap3A_525 = vector.shape_cast %swap3A_524 : vector<1x1x16xf32> to vector<16xf32>
        %swap3A_526 = vector.shape_cast %get3A_519 : vector<16xf32> to vector<1x1x16xf32>
        tpu.vector_store %arg8[%swap3A_521, %swap3A_522, %swap3A_523], %swap3A_526 {add = true, strides = array<i32>} : memref<4x200x64xf32, #tpu.memory_space<vmem>>, vector<1x1x16xf32>,
        %get3A_527 = arith.index_cast %add3A_493 : i32 to index
        %get3A_528 = arith.constant 48 : index
        %get3A_529 = tpu.vector_load %arg7[%get3A_527, %get3A_528] {strides = array<i32>} : memref<200x64xf32, #tpu.memory_space<vmem>>, vector<1x16xf32>,
        %get3A_530 = vector.shape_cast %get3A_529 : vector<1x16xf32> to vector<16xf32>
        %swap3A_531 = arith.constant 2 : i32
        %swap3A_532 = arith.index_cast %swap3A_531 : i32 to index
        %swap3A_533 = arith.index_cast %add3A_493 : i32 to index
        %swap3A_534 = arith.constant 48 : index
        %swap3A_535 = tpu.vector_load %arg8[%swap3A_532, %swap3A_533, %swap3A_534] {strides = array<i32>} : memref<4x200x64xf32, #tpu.memory_space<vmem>>, vector<1x1x16xf32>,
        %swap3A_536 = vector.shape_cast %swap3A_535 : vector<1x1x16xf32> to vector<16xf32>
        %swap3A_537 = vector.shape_cast %get3A_530 : vector<16xf32> to vector<1x1x16xf32>
        tpu.vector_store %arg8[%swap3A_532, %swap3A_533, %swap3A_534], %swap3A_537 {add = true, strides = array<i32>} : memref<4x200x64xf32, #tpu.memory_space<vmem>>, vector<1x1x16xf32>,
        %scan3A_538 = arith.constant 2 : i32
        %scan3A_539 = arith.addi %scan3A_441, %scan3A_538 : i32
        %mul3A_540 = arith.constant 1 : i32
        %mul3A_541 = arith.muli %scan3A_539, %mul3A_540 : i32
        %add3A_542 = arith.constant 0 : i32
        %add3A_543 = arith.addi %add3A_542, %mul3A_541 : i32
        %get3A_544 = arith.index_cast %add3A_543 : i32 to index
        %get3A_545 = arith.constant 0 : index
        %get3A_546 = tpu.vector_load %arg7[%get3A_544, %get3A_545] {strides = array<i32>} : memref<200x64xf32, #tpu.memory_space<vmem>>, vector<1x16xf32>,
        %get3A_547 = vector.shape_cast %get3A_546 : vector<1x16xf32> to vector<16xf32>
        %swap3A_548 = arith.constant 2 : i32
        %swap3A_549 = arith.index_cast %swap3A_548 : i32 to index
        %swap3A_550 = arith.index_cast %add3A_543 : i32 to index
        %swap3A_551 = arith.constant 0 : index
        %swap3A_552 = tpu.vector_load %arg8[%swap3A_549, %swap3A_550, %swap3A_551] {strides = array<i32>} : memref<4x200x64xf32, #tpu.memory_space<vmem>>, vector<1x1x16xf32>,
        %swap3A_553 = vector.shape_cast %swap3A_552 : vector<1x1x16xf32> to vector<16xf32>
        %swap3A_554 = vector.shape_cast %get3A_547 : vector<16xf32> to vector<1x1x16xf32>
        tpu.vector_store %arg8[%swap3A_549, %swap3A_550, %swap3A_551], %swap3A_554 {add = true, strides = array<i32>} : memref<4x200x64xf32, #tpu.memory_space<vmem>>, vector<1x1x16xf32>,
        %get3A_555 = arith.index_cast %add3A_543 : i32 to index
        %get3A_556 = arith.constant 16 : index
        %get3A_557 = tpu.vector_load %arg7[%get3A_555, %get3A_556] {strides = array<i32>} : memref<200x64xf32, #tpu.memory_space<vmem>>, vector<1x16xf32>,
        %get3A_558 = vector.shape_cast %get3A_557 : vector<1x16xf32> to vector<16xf32>
        %swap3A_559 = arith.constant 2 : i32
        %swap3A_560 = arith.index_cast %swap3A_559 : i32 to index
        %swap3A_561 = arith.index_cast %add3A_543 : i32 to index
        %swap3A_562 = arith.constant 16 : index
        %swap3A_563 = tpu.vector_load %arg8[%swap3A_560, %swap3A_561, %swap3A_562] {strides = array<i32>} : memref<4x200x64xf32, #tpu.memory_space<vmem>>, vector<1x1x16xf32>,
        %swap3A_564 = vector.shape_cast %swap3A_563 : vector<1x1x16xf32> to vector<16xf32>
        %swap3A_565 = vector.shape_cast %get3A_558 : vector<16xf32> to vector<1x1x16xf32>
        tpu.vector_store %arg8[%swap3A_560, %swap3A_561, %swap3A_562], %swap3A_565 {add = true, strides = array<i32>} : memref<4x200x64xf32, #tpu.memory_space<vmem>>, vector<1x1x16xf32>,
        %get3A_566 = arith.index_cast %add3A_543 : i32 to index
        %get3A_567 = arith.constant 32 : index
        %get3A_568 = tpu.vector_load %arg7[%get3A_566, %get3A_567] {strides = array<i32>} : memref<200x64xf32, #tpu.memory_space<vmem>>, vector<1x16xf32>,
        %get3A_569 = vector.shape_cast %get3A_568 : vector<1x16xf32> to vector<16xf32>
        %swap3A_570 = arith.constant 2 : i32
        %swap3A_571 = arith.index_cast %swap3A_570 : i32 to index
        %swap3A_572 = arith.index_cast %add3A_543 : i32 to index
        %swap3A_573 = arith.constant 32 : index
        %swap3A_574 = tpu.vector_load %arg8[%swap3A_571, %swap3A_572, %swap3A_573] {strides = array<i32>} : memref<4x200x64xf32, #tpu.memory_space<vmem>>, vector<1x1x16xf32>,
        %swap3A_575 = vector.shape_cast %swap3A_574 : vector<1x1x16xf32> to vector<16xf32>
        %swap3A_576 = vector.shape_cast %get3A_569 : vector<16xf32> to vector<1x1x16xf32>
        tpu.vector_store %arg8[%swap3A_571, %swap3A_572, %swap3A_573], %swap3A_576 {add = true, strides = array<i32>} : memref<4x200x64xf32, #tpu.memory_space<vmem>>, vector<1x1x16xf32>,
        %get3A_577 = arith.index_cast %add3A_543 : i32 to index
        %get3A_578 = arith.constant 48 : index
        %get3A_579 = tpu.vector_load %arg7[%get3A_577, %get3A_578] {strides = array<i32>} : memref<200x64xf32, #tpu.memory_space<vmem>>, vector<1x16xf32>,
        %get3A_580 = vector.shape_cast %get3A_579 : vector<1x16xf32> to vector<16xf32>
        %swap3A_581 = arith.constant 2 : i32
        %swap3A_582 = arith.index_cast %swap3A_581 : i32 to index
        %swap3A_583 = arith.index_cast %add3A_543 : i32 to index
        %swap3A_584 = arith.constant 48 : index
        %swap3A_585 = tpu.vector_load %arg8[%swap3A_582, %swap3A_583, %swap3A_584] {strides = array<i32>} : memref<4x200x64xf32, #tpu.memory_space<vmem>>, vector<1x1x16xf32>,
        %swap3A_586 = vector.shape_cast %swap3A_585 : vector<1x1x16xf32> to vector<16xf32>
        %swap3A_587 = vector.shape_cast %get3A_580 : vector<16xf32> to vector<1x1x16xf32>
        tpu.vector_store %arg8[%swap3A_582, %swap3A_583, %swap3A_584], %swap3A_587 {add = true, strides = array<i32>} : memref<4x200x64xf32, #tpu.memory_space<vmem>>, vector<1x1x16xf32>,
        %scan3A_588 = arith.constant 3 : i32
        %scan3A_589 = arith.addi %scan3A_441, %scan3A_588 : i32
        %mul3A_590 = arith.constant 1 : i32
        %mul3A_591 = arith.muli %scan3A_589, %mul3A_590 : i32
        %add3A_592 = arith.constant 0 : i32
        %add3A_593 = arith.addi %add3A_592, %mul3A_591 : i32
        %get3A_594 = arith.index_cast %add3A_593 : i32 to index
        %get3A_595 = arith.constant 0 : index
        %get3A_596 = tpu.vector_load %arg7[%get3A_594, %get3A_595] {strides = array<i32>} : memref<200x64xf32, #tpu.memory_space<vmem>>, vector<1x16xf32>,
        %get3A_597 = vector.shape_cast %get3A_596 : vector<1x16xf32> to vector<16xf32>
        %swap3A_598 = arith.constant 2 : i32
        %swap3A_599 = arith.index_cast %swap3A_598 : i32 to index
        %swap3A_600 = arith.index_cast %add3A_593 : i32 to index
        %swap3A_601 = arith.constant 0 : index
        %swap3A_602 = tpu.vector_load %arg8[%swap3A_599, %swap3A_600, %swap3A_601] {strides = array<i32>} : memref<4x200x64xf32, #tpu.memory_space<vmem>>, vector<1x1x16xf32>,
        %swap3A_603 = vector.shape_cast %swap3A_602 : vector<1x1x16xf32> to vector<16xf32>
        %swap3A_604 = vector.shape_cast %get3A_597 : vector<16xf32> to vector<1x1x16xf32>
        tpu.vector_store %arg8[%swap3A_599, %swap3A_600, %swap3A_601], %swap3A_604 {add = true, strides = array<i32>} : memref<4x200x64xf32, #tpu.memory_space<vmem>>, vector<1x1x16xf32>,
        %get3A_605 = arith.index_cast %add3A_593 : i32 to index
        %get3A_606 = arith.constant 16 : index
        %get3A_607 = tpu.vector_load %arg7[%get3A_605, %get3A_606] {strides = array<i32>} : memref<200x64xf32, #tpu.memory_space<vmem>>, vector<1x16xf32>,
        %get3A_608 = vector.shape_cast %get3A_607 : vector<1x16xf32> to vector<16xf32>
        %swap3A_609 = arith.constant 2 : i32
        %swap3A_610 = arith.index_cast %swap3A_609 : i32 to index
        %swap3A_611 = arith.index_cast %add3A_593 : i32 to index
        %swap3A_612 = arith.constant 16 : index
        %swap3A_613 = tpu.vector_load %arg8[%swap3A_610, %swap3A_611, %swap3A_612] {strides = array<i32>} : memref<4x200x64xf32, #tpu.memory_space<vmem>>, vector<1x1x16xf32>,
        %swap3A_614 = vector.shape_cast %swap3A_613 : vector<1x1x16xf32> to vector<16xf32>
        %swap3A_615 = vector.shape_cast %get3A_608 : vector<16xf32> to vector<1x1x16xf32>
        tpu.vector_store %arg8[%swap3A_610, %swap3A_611, %swap3A_612], %swap3A_615 {add = true, strides = array<i32>} : memref<4x200x64xf32, #tpu.memory_space<vmem>>, vector<1x1x16xf32>,
        %get3A_616 = arith.index_cast %add3A_593 : i32 to index
        %get3A_617 = arith.constant 32 : index
        %get3A_618 = tpu.vector_load %arg7[%get3A_616, %get3A_617] {strides = array<i32>} : memref<200x64xf32, #tpu.memory_space<vmem>>, vector<1x16xf32>,
        %get3A_619 = vector.shape_cast %get3A_618 : vector<1x16xf32> to vector<16xf32>
        %swap3A_620 = arith.constant 2 : i32
        %swap3A_621 = arith.index_cast %swap3A_620 : i32 to index
        %swap3A_622 = arith.index_cast %add3A_593 : i32 to index
        %swap3A_623 = arith.constant 32 : index
        %swap3A_624 = tpu.vector_load %arg8[%swap3A_621, %swap3A_622, %swap3A_623] {strides = array<i32>} : memref<4x200x64xf32, #tpu.memory_space<vmem>>, vector<1x1x16xf32>,
        %swap3A_625 = vector.shape_cast %swap3A_624 : vector<1x1x16xf32> to vector<16xf32>
        %swap3A_626 = vector.shape_cast %get3A_619 : vector<16xf32> to vector<1x1x16xf32>
        tpu.vector_store %arg8[%swap3A_621, %swap3A_622, %swap3A_623], %swap3A_626 {add = true, strides = array<i32>} : memref<4x200x64xf32, #tpu.memory_space<vmem>>, vector<1x1x16xf32>,
        %get3A_627 = arith.index_cast %add3A_593 : i32 to index
        %get3A_628 = arith.constant 48 : index
        %get3A_629 = tpu.vector_load %arg7[%get3A_627, %get3A_628] {strides = array<i32>} : memref<200x64xf32, #tpu.memory_space<vmem>>, vector<1x16xf32>,
        %get3A_630 = vector.shape_cast %get3A_629 : vector<1x16xf32> to vector<16xf32>
        %swap3A_631 = arith.constant 2 : i32
        %swap3A_632 = arith.index_cast %swap3A_631 : i32 to index
        %swap3A_633 = arith.index_cast %add3A_593 : i32 to index
        %swap3A_634 = arith.constant 48 : index
        %swap3A_635 = tpu.vector_load %arg8[%swap3A_632, %swap3A_633, %swap3A_634] {strides = array<i32>} : memref<4x200x64xf32, #tpu.memory_space<vmem>>, vector<1x1x16xf32>,
        %swap3A_636 = vector.shape_cast %swap3A_635 : vector<1x1x16xf32> to vector<16xf32>
        %swap3A_637 = vector.shape_cast %get3A_630 : vector<16xf32> to vector<1x1x16xf32>
        tpu.vector_store %arg8[%swap3A_632, %swap3A_633, %swap3A_634], %swap3A_637 {add = true, strides = array<i32>} : memref<4x200x64xf32, #tpu.memory_space<vmem>>, vector<1x1x16xf32>,
      }
      %scan3A_347 = arith.constant 200 : i32
      %add3A_348 = arith.addi %mul3A_2, %add3A_312 : i32
      %dma_start3A_349 = arith.constant 2 : i32
      %dma_start3A_350 = arith.constant 2 : i32
      %dma_start3A_351 = arith.constant 0 : i32
      %dma_start3A_352 = arith.constant 0 : i32
      %dma_start3A_353 = tpu.memref_slice %arg8[%dma_start3A_349, %dma_start3A_351, %dma_start3A_352] : memref<4x200x64xf32, #tpu.memory_space<vmem>> -> memref<1x200x64xf32, #tpu.memory_space<vmem>>
      %dma_start3A_354 = tpu.memref_squeeze %dma_start3A_353 : memref<1x200x64xf32, #tpu.memory_space<vmem>> -> memref<200x64xf32, #tpu.memory_space<vmem>>
      %dma_start3A_355 = arith.constant 0 : i32
      %dma_start3A_356 = arith.constant 0 : i32
      %dma_start3A_357 = tpu.memref_slice %arg5[%add3A_348, %dma_start3A_355, %dma_start3A_356] : memref<1024x200x64xf32, #tpu.memory_space<hbm>> -> memref<1x200x64xf32, #tpu.memory_space<hbm>>
      %dma_start3A_358 = tpu.memref_squeeze %dma_start3A_357 : memref<1x200x64xf32, #tpu.memory_space<hbm>> -> memref<200x64xf32, #tpu.memory_space<hbm>>
      %dma_start3A_359 = tpu.memref_slice %arg10[%dma_start3A_350] : memref<4x!tpu.dma_semaphore, #tpu.memory_space<semaphore_mem>> -> memref<1x!tpu.dma_semaphore, #tpu.memory_space<semaphore_mem>>
      %dma_start3A_360 = tpu.memref_squeeze %dma_start3A_359 : memref<1x!tpu.dma_semaphore, #tpu.memory_space<semaphore_mem>> -> memref<!tpu.dma_semaphore, #tpu.memory_space<semaphore_mem>>
      %dma_start3A_361 = arith.constant 0 : i32
      %dma_start3A_362 = arith.constant 0 : i32
      %dma_start3A_363 = tpu.memref_slice %arg5[%add3A_348, %dma_start3A_361, %dma_start3A_362] : memref<1024x200x64xf32, #tpu.memory_space<hbm>> -> memref<1x200x64xf32, #tpu.memory_space<hbm>>
      %dma_start3A_364 = tpu.memref_squeeze %dma_start3A_363 : memref<1x200x64xf32, #tpu.memory_space<hbm>> -> memref<200x64xf32, #tpu.memory_space<hbm>>
      %dma_start3A_365 = arith.constant 0 : i32
      %dma_start3A_366 = arith.constant 0 : i32
      %dma_start3A_367 = tpu.memref_slice %arg8[%dma_start3A_349, %dma_start3A_365, %dma_start3A_366] : memref<4x200x64xf32, #tpu.memory_space<vmem>> -> memref<1x200x64xf32, #tpu.memory_space<vmem>>
      %dma_start3A_368 = tpu.memref_squeeze %dma_start3A_367 : memref<1x200x64xf32, #tpu.memory_space<vmem>> -> memref<200x64xf32, #tpu.memory_space<vmem>>
      tpu.enqueue_dma source(%dma_start3A_368 : memref<200x64xf32, #tpu.memory_space<vmem>>) target(%dma_start3A_364 : memref<200x64xf32, #tpu.memory_space<hbm>>) target_semaphore(%dma_start3A_360 : memref<!tpu.dma_semaphore, #tpu.memory_space<semaphore_mem>>)
      %add3A_369 = arith.constant 3 : i32
      %add3A_370 = arith.addi %add3A_312, %add3A_369 : i32
      %lt3A_371 = arith.constant 32 : i32
      %lt3A_372 = arith.cmpi slt, %add3A_370, %lt3A_371 : i32
      %convert_element_type3A_373 = arith.extui %lt3A_372 : i1 to i32
      %cond3A_374 = arith.constant 0 : i32
      %cond3A_375 = arith.cmpi ne, %convert_element_type3A_373, %cond3A_374 : i32
      scf.if %cond3A_375 {
        %ge3A = arith.constant 4 : i32
        %ge3A_441 = arith.cmpi sge, %add3A_370, %ge3A : i32
        %convert_element_type3A_442 = arith.extui %ge3A_441 : i1 to i32
        %cond3A_443 = arith.constant 0 : i32
        %cond3A_444 = arith.cmpi ne, %convert_element_type3A_442, %cond3A_443 : i32
        scf.if %cond3A_444 {
          %dma_wait3A_473 = arith.constant 1 : i32
          %dma_wait3A_474 = arith.constant 0 : i32
          %dma_wait3A_475 = arith.constant 1 : i32
          %dma_wait3A_476 = arith.constant 0 : i32
          %dma_wait3A_477 = arith.constant 0 : i32
          %dma_wait3A_478 = tpu.memref_slice %arg8[%dma_wait3A_473, %dma_wait3A_476, %dma_wait3A_477] : memref<4x200x64xf32, #tpu.memory_space<vmem>> -> memref<1x200x64xf32, #tpu.memory_space<vmem>>
          %dma_wait3A_479 = tpu.memref_squeeze %dma_wait3A_478 : memref<1x200x64xf32, #tpu.memory_space<vmem>> -> memref<200x64xf32, #tpu.memory_space<vmem>>
          %dma_wait3A_480 = arith.constant 0 : i32
          %dma_wait3A_481 = arith.constant 0 : i32
          %dma_wait3A_482 = tpu.memref_slice %arg5[%dma_wait3A_474, %dma_wait3A_480, %dma_wait3A_481] : memref<1024x200x64xf32, #tpu.memory_space<hbm>> -> memref<1x200x64xf32, #tpu.memory_space<hbm>>
          %dma_wait3A_483 = tpu.memref_squeeze %dma_wait3A_482 : memref<1x200x64xf32, #tpu.memory_space<hbm>> -> memref<200x64xf32, #tpu.memory_space<hbm>>
          %dma_wait3A_484 = tpu.memref_slice %arg10[%dma_wait3A_475] : memref<4x!tpu.dma_semaphore, #tpu.memory_space<semaphore_mem>> -> memref<1x!tpu.dma_semaphore, #tpu.memory_space<semaphore_mem>>
          %dma_wait3A_485 = tpu.memref_squeeze %dma_wait3A_484 : memref<1x!tpu.dma_semaphore, #tpu.memory_space<semaphore_mem>> -> memref<!tpu.dma_semaphore, #tpu.memory_space<semaphore_mem>>
          %dma_wait3A_486 = arith.constant 0 : i32
          %dma_wait3A_487 = arith.constant 0 : i32
          %dma_wait3A_488 = tpu.memref_slice %arg5[%dma_wait3A_474, %dma_wait3A_486, %dma_wait3A_487] : memref<1024x200x64xf32, #tpu.memory_space<hbm>> -> memref<1x200x64xf32, #tpu.memory_space<hbm>>
          %dma_wait3A_489 = tpu.memref_squeeze %dma_wait3A_488 : memref<1x200x64xf32, #tpu.memory_space<hbm>> -> memref<200x64xf32, #tpu.memory_space<hbm>>
          %dma_wait3A_490 = arith.constant 0 : i32
          %dma_wait3A_491 = arith.constant 0 : i32
          %dma_wait3A_492 = tpu.memref_slice %arg8[%dma_wait3A_473, %dma_wait3A_490, %dma_wait3A_491] : memref<4x200x64xf32, #tpu.memory_space<vmem>> -> memref<1x200x64xf32, #tpu.memory_space<vmem>>
          %dma_wait3A_493 = tpu.memref_squeeze %dma_wait3A_492 : memref<1x200x64xf32, #tpu.memory_space<vmem>> -> memref<200x64xf32, #tpu.memory_space<vmem>>
          tpu.wait_dma2 semaphore(%dma_wait3A_485 : memref<!tpu.dma_semaphore, #tpu.memory_space<semaphore_mem>>) src(%dma_wait3A_493 : memref<200x64xf32, #tpu.memory_space<vmem>>) dst(%dma_wait3A_489 : memref<200x64xf32, #tpu.memory_space<hbm>>)
        } else {
        }
        %dma_start3A_445 = arith.constant 1 : i32
        %dma_start3A_446 = arith.constant 1 : i32
        %dma_start3A_447 = arith.constant 0 : i32
        %dma_start3A_448 = arith.constant 0 : i32
        %dma_start3A_449 = tpu.memref_slice %arg8[%dma_start3A_445, %dma_start3A_447, %dma_start3A_448] : memref<4x200x64xf32, #tpu.memory_space<vmem>> -> memref<1x104x64xf32, #tpu.memory_space<vmem>>
        %dma_start3A_450 = tpu.memref_squeeze %dma_start3A_449 : memref<1x104x64xf32, #tpu.memory_space<vmem>> -> memref<104x64xf32, #tpu.memory_space<vmem>>
        %dma_start3A_451 = arith.constant 0 : i32
        %dma_start3A_452 = tpu.memref_slice %arg6[%add3A_370, %dma_start3A_451] : memref<32x200xi32, #tpu.memory_space<vmem>> -> memref<1x104xi32, #tpu.memory_space<vmem>>
        %dma_start3A_453 = tpu.memref_squeeze %dma_start3A_452 : memref<1x104xi32, #tpu.memory_space<vmem>> -> memref<104xi32, #tpu.memory_space<vmem>>
        %dma_start3A_454 = arith.constant 0 : i32
        %dma_start3A_455 = arith.constant 0 : i32
        %dma_start3A_456 = tpu.memref_slice %arg3[%dma_start3A_454, %dma_start3A_455] : memref<1000000x64xf32, #tpu.memory_space<hbm>> -> memref<1000000x64xf32, #tpu.memory_space<hbm>>
        %dma_start3A_457 = tpu.memref_slice %arg9[%dma_start3A_446] : memref<4x!tpu.dma_semaphore, #tpu.memory_space<semaphore_mem>> -> memref<1x!tpu.dma_semaphore, #tpu.memory_space<semaphore_mem>>
        %dma_start3A_458 = tpu.memref_squeeze %dma_start3A_457 : memref<1x!tpu.dma_semaphore, #tpu.memory_space<semaphore_mem>> -> memref<!tpu.dma_semaphore, #tpu.memory_space<semaphore_mem>>
        tpu.enqueue_indirect_dma source(%dma_start3A_456 : memref<1000000x64xf32, #tpu.memory_space<hbm>>) target(%dma_start3A_450 : memref<104x64xf32, #tpu.memory_space<vmem>>) offsets(%dma_start3A_453 : memref<104xi32, #tpu.memory_space<vmem>>) semaphore(%dma_start3A_458 : memref<!tpu.dma_semaphore, #tpu.memory_space<semaphore_mem>>)
        %dma_start3A_459 = arith.constant 1 : i32
        %dma_start3A_460 = arith.constant 1 : i32
        %dma_start3A_461 = arith.constant 104 : i32
        %dma_start3A_462 = arith.constant 0 : i32
        %dma_start3A_463 = tpu.memref_slice %arg8[%dma_start3A_459, %dma_start3A_461, %dma_start3A_462] : memref<4x200x64xf32, #tpu.memory_space<vmem>> -> memref<1x96x64xf32, #tpu.memory_space<vmem>>
        %dma_start3A_464 = tpu.memref_squeeze %dma_start3A_463 : memref<1x96x64xf32, #tpu.memory_space<vmem>> -> memref<96x64xf32, #tpu.memory_space<vmem>>
        %dma_start3A_465 = arith.constant 104 : i32
        %dma_start3A_466 = tpu.memref_slice %arg6[%add3A_370, %dma_start3A_465] : memref<32x200xi32, #tpu.memory_space<vmem>> -> memref<1x96xi32, #tpu.memory_space<vmem>>
        %dma_start3A_467 = tpu.memref_squeeze %dma_start3A_466 : memref<1x96xi32, #tpu.memory_space<vmem>> -> memref<96xi32, #tpu.memory_space<vmem>>
        %dma_start3A_468 = arith.constant 0 : i32
        %dma_start3A_469 = arith.constant 0 : i32
        %dma_start3A_470 = tpu.memref_slice %arg3[%dma_start3A_468, %dma_start3A_469] : memref<1000000x64xf32, #tpu.memory_space<hbm>> -> memref<1000000x64xf32, #tpu.memory_space<hbm>>
        %dma_start3A_471 = tpu.memref_slice %arg9[%dma_start3A_460] : memref<4x!tpu.dma_semaphore, #tpu.memory_space<semaphore_mem>> -> memref<1x!tpu.dma_semaphore, #tpu.memory_space<semaphore_mem>>
        %dma_start3A_472 = tpu.memref_squeeze %dma_start3A_471 : memref<1x!tpu.dma_semaphore, #tpu.memory_space<semaphore_mem>> -> memref<!tpu.dma_semaphore, #tpu.memory_space<semaphore_mem>>
        tpu.enqueue_indirect_dma source(%dma_start3A_470 : memref<1000000x64xf32, #tpu.memory_space<hbm>>) target(%dma_start3A_464 : memref<96x64xf32, #tpu.memory_space<vmem>>) offsets(%dma_start3A_467 : memref<96xi32, #tpu.memory_space<vmem>>) semaphore(%dma_start3A_472 : memref<!tpu.dma_semaphore, #tpu.memory_space<semaphore_mem>>)
      } else {
      }
      %add3A_376 = arith.constant 3 : i32
      %add3A_377 = arith.addi %add3A_183, %add3A_376 : i32
      %dma_wait3A_378 = arith.constant 0 : i32
      %dma_wait3A_379 = arith.constant 3 : i32
      %dma_wait3A_380 = arith.constant 3 : i32
      %dma_wait3A_381 = arith.constant 0 : i32
      %dma_wait3A_382 = arith.constant 0 : i32
      %dma_wait3A_383 = tpu.memref_slice %arg8[%dma_wait3A_379, %dma_wait3A_381, %dma_wait3A_382] : memref<4x200x64xf32, #tpu.memory_space<vmem>> -> memref<1x104x64xf32, #tpu.memory_space<vmem>>
      %dma_wait3A_384 = tpu.memref_squeeze %dma_wait3A_383 : memref<1x104x64xf32, #tpu.memory_space<vmem>> -> memref<104x64xf32, #tpu.memory_space<vmem>>
      %dma_wait3A_385 = arith.constant 0 : i32
      %dma_wait3A_386 = tpu.memref_slice %arg6[%dma_wait3A_378, %dma_wait3A_385] : memref<32x200xi32, #tpu.memory_space<vmem>> -> memref<1x104xi32, #tpu.memory_space<vmem>>
      %dma_wait3A_387 = tpu.memref_squeeze %dma_wait3A_386 : memref<1x104xi32, #tpu.memory_space<vmem>> -> memref<104xi32, #tpu.memory_space<vmem>>
      %dma_wait3A_388 = arith.constant 0 : i32
      %dma_wait3A_389 = arith.constant 0 : i32
      %dma_wait3A_390 = tpu.memref_slice %arg3[%dma_wait3A_388, %dma_wait3A_389] : memref<1000000x64xf32, #tpu.memory_space<hbm>> -> memref<1000000x64xf32, #tpu.memory_space<hbm>>
      %dma_wait3A_391 = tpu.memref_slice %arg9[%dma_wait3A_380] : memref<4x!tpu.dma_semaphore, #tpu.memory_space<semaphore_mem>> -> memref<1x!tpu.dma_semaphore, #tpu.memory_space<semaphore_mem>>
      %dma_wait3A_392 = tpu.memref_squeeze %dma_wait3A_391 : memref<1x!tpu.dma_semaphore, #tpu.memory_space<semaphore_mem>> -> memref<!tpu.dma_semaphore, #tpu.memory_space<semaphore_mem>>
      tpu.wait_indirect_dma semaphore(%dma_wait3A_392 : memref<!tpu.dma_semaphore, #tpu.memory_space<semaphore_mem>>) src(%dma_wait3A_390 : memref<1000000x64xf32, #tpu.memory_space<hbm>>) dst(%dma_wait3A_384 : memref<104x64xf32, #tpu.memory_space<vmem>>)
      %dma_wait3A_393 = arith.constant 0 : i32
      %dma_wait3A_394 = arith.constant 3 : i32
      %dma_wait3A_395 = arith.constant 3 : i32
      %dma_wait3A_396 = arith.constant 104 : i32
      %dma_wait3A_397 = arith.constant 0 : i32
      %dma_wait3A_398 = tpu.memref_slice %arg8[%dma_wait3A_394, %dma_wait3A_396, %dma_wait3A_397] : memref<4x200x64xf32, #tpu.memory_space<vmem>> -> memref<1x96x64xf32, #tpu.memory_space<vmem>>
      %dma_wait3A_399 = tpu.memref_squeeze %dma_wait3A_398 : memref<1x96x64xf32, #tpu.memory_space<vmem>> -> memref<96x64xf32, #tpu.memory_space<vmem>>
      %dma_wait3A_400 = arith.constant 0 : i32
      %dma_wait3A_401 = tpu.memref_slice %arg6[%dma_wait3A_393, %dma_wait3A_400] : memref<32x200xi32, #tpu.memory_space<vmem>> -> memref<1x96xi32, #tpu.memory_space<vmem>>
      %dma_wait3A_402 = tpu.memref_squeeze %dma_wait3A_401 : memref<1x96xi32, #tpu.memory_space<vmem>> -> memref<96xi32, #tpu.memory_space<vmem>>
      %dma_wait3A_403 = arith.constant 0 : i32
      %dma_wait3A_404 = arith.constant 0 : i32
      %dma_wait3A_405 = tpu.memref_slice %arg3[%dma_wait3A_403, %dma_wait3A_404] : memref<1000000x64xf32, #tpu.memory_space<hbm>> -> memref<1000000x64xf32, #tpu.memory_space<hbm>>
      %dma_wait3A_406 = tpu.memref_slice %arg9[%dma_wait3A_395] : memref<4x!tpu.dma_semaphore, #tpu.memory_space<semaphore_mem>> -> memref<1x!tpu.dma_semaphore, #tpu.memory_space<semaphore_mem>>
      %dma_wait3A_407 = tpu.memref_squeeze %dma_wait3A_406 : memref<1x!tpu.dma_semaphore, #tpu.memory_space<semaphore_mem>> -> memref<!tpu.dma_semaphore, #tpu.memory_space<semaphore_mem>>
      tpu.wait_indirect_dma semaphore(%dma_wait3A_407 : memref<!tpu.dma_semaphore, #tpu.memory_space<semaphore_mem>>) src(%dma_wait3A_405 : memref<1000000x64xf32, #tpu.memory_space<hbm>>) dst(%dma_wait3A_399 : memref<96x64xf32, #tpu.memory_space<vmem>>)
      %scan3A_408 = arith.constant 0 : i32
      %scan3A_409 = arith.constant 200 : i32
      %scan3A_410 = arith.addi %scan3A_408, %scan3A_409 : i32
      %scan3A_411 = arith.constant 4 : i32
      scf.for %scan3A_441 = %scan3A_408 to %scan3A_410 step %scan3A_411  : i32 {
        %mul3A_442 = arith.constant 1 : i32
        %mul3A_443 = arith.muli %scan3A_441, %mul3A_442 : i32
        %add3A_444 = arith.constant 0 : i32
        %add3A_445 = arith.addi %add3A_444, %mul3A_443 : i32
        %get3A = arith.index_cast %add3A_445 : i32 to index
        %get3A_446 = arith.constant 0 : index
        %get3A_447 = tpu.vector_load %arg7[%get3A, %get3A_446] {strides = array<i32>} : memref<200x64xf32, #tpu.memory_space<vmem>>, vector<1x16xf32>,
        %get3A_448 = vector.shape_cast %get3A_447 : vector<1x16xf32> to vector<16xf32>
        %swap3A = arith.constant 3 : i32
        %swap3A_449 = arith.index_cast %swap3A : i32 to index
        %swap3A_450 = arith.index_cast %add3A_445 : i32 to index
        %swap3A_451 = arith.constant 0 : index
        %swap3A_452 = tpu.vector_load %arg8[%swap3A_449, %swap3A_450, %swap3A_451] {strides = array<i32>} : memref<4x200x64xf32, #tpu.memory_space<vmem>>, vector<1x1x16xf32>,
        %swap3A_453 = vector.shape_cast %swap3A_452 : vector<1x1x16xf32> to vector<16xf32>
        %swap3A_454 = vector.shape_cast %get3A_448 : vector<16xf32> to vector<1x1x16xf32>
        tpu.vector_store %arg8[%swap3A_449, %swap3A_450, %swap3A_451], %swap3A_454 {add = true, strides = array<i32>} : memref<4x200x64xf32, #tpu.memory_space<vmem>>, vector<1x1x16xf32>,
        %get3A_455 = arith.index_cast %add3A_445 : i32 to index
        %get3A_456 = arith.constant 16 : index
        %get3A_457 = tpu.vector_load %arg7[%get3A_455, %get3A_456] {strides = array<i32>} : memref<200x64xf32, #tpu.memory_space<vmem>>, vector<1x16xf32>,
        %get3A_458 = vector.shape_cast %get3A_457 : vector<1x16xf32> to vector<16xf32>
        %swap3A_459 = arith.constant 3 : i32
        %swap3A_460 = arith.index_cast %swap3A_459 : i32 to index
        %swap3A_461 = arith.index_cast %add3A_445 : i32 to index
        %swap3A_462 = arith.constant 16 : index
        %swap3A_463 = tpu.vector_load %arg8[%swap3A_460, %swap3A_461, %swap3A_462] {strides = array<i32>} : memref<4x200x64xf32, #tpu.memory_space<vmem>>, vector<1x1x16xf32>,
        %swap3A_464 = vector.shape_cast %swap3A_463 : vector<1x1x16xf32> to vector<16xf32>
        %swap3A_465 = vector.shape_cast %get3A_458 : vector<16xf32> to vector<1x1x16xf32>
        tpu.vector_store %arg8[%swap3A_460, %swap3A_461, %swap3A_462], %swap3A_465 {add = true, strides = array<i32>} : memref<4x200x64xf32, #tpu.memory_space<vmem>>, vector<1x1x16xf32>,
        %get3A_466 = arith.index_cast %add3A_445 : i32 to index
        %get3A_467 = arith.constant 32 : index
        %get3A_468 = tpu.vector_load %arg7[%get3A_466, %get3A_467] {strides = array<i32>} : memref<200x64xf32, #tpu.memory_space<vmem>>, vector<1x16xf32>,
        %get3A_469 = vector.shape_cast %get3A_468 : vector<1x16xf32> to vector<16xf32>
        %swap3A_470 = arith.constant 3 : i32
        %swap3A_471 = arith.index_cast %swap3A_470 : i32 to index
        %swap3A_472 = arith.index_cast %add3A_445 : i32 to index
        %swap3A_473 = arith.constant 32 : index
        %swap3A_474 = tpu.vector_load %arg8[%swap3A_471, %swap3A_472, %swap3A_473] {strides = array<i32>} : memref<4x200x64xf32, #tpu.memory_space<vmem>>, vector<1x1x16xf32>,
        %swap3A_475 = vector.shape_cast %swap3A_474 : vector<1x1x16xf32> to vector<16xf32>
        %swap3A_476 = vector.shape_cast %get3A_469 : vector<16xf32> to vector<1x1x16xf32>
        tpu.vector_store %arg8[%swap3A_471, %swap3A_472, %swap3A_473], %swap3A_476 {add = true, strides = array<i32>} : memref<4x200x64xf32, #tpu.memory_space<vmem>>, vector<1x1x16xf32>,
        %get3A_477 = arith.index_cast %add3A_445 : i32 to index
        %get3A_478 = arith.constant 48 : index
        %get3A_479 = tpu.vector_load %arg7[%get3A_477, %get3A_478] {strides = array<i32>} : memref<200x64xf32, #tpu.memory_space<vmem>>, vector<1x16xf32>,
        %get3A_480 = vector.shape_cast %get3A_479 : vector<1x16xf32> to vector<16xf32>
        %swap3A_481 = arith.constant 3 : i32
        %swap3A_482 = arith.index_cast %swap3A_481 : i32 to index
        %swap3A_483 = arith.index_cast %add3A_445 : i32 to index
        %swap3A_484 = arith.constant 48 : index
        %swap3A_485 = tpu.vector_load %arg8[%swap3A_482, %swap3A_483, %swap3A_484] {strides = array<i32>} : memref<4x200x64xf32, #tpu.memory_space<vmem>>, vector<1x1x16xf32>,
        %swap3A_486 = vector.shape_cast %swap3A_485 : vector<1x1x16xf32> to vector<16xf32>
        %swap3A_487 = vector.shape_cast %get3A_480 : vector<16xf32> to vector<1x1x16xf32>
        tpu.vector_store %arg8[%swap3A_482, %swap3A_483, %swap3A_484], %swap3A_487 {add = true, strides = array<i32>} : memref<4x200x64xf32, #tpu.memory_space<vmem>>, vector<1x1x16xf32>,
        %scan3A_488 = arith.constant 1 : i32
        %scan3A_489 = arith.addi %scan3A_441, %scan3A_488 : i32
        %mul3A_490 = arith.constant 1 : i32
        %mul3A_491 = arith.muli %scan3A_489, %mul3A_490 : i32
        %add3A_492 = arith.constant 0 : i32
        %add3A_493 = arith.addi %add3A_492, %mul3A_491 : i32
        %get3A_494 = arith.index_cast %add3A_493 : i32 to index
        %get3A_495 = arith.constant 0 : index
        %get3A_496 = tpu.vector_load %arg7[%get3A_494, %get3A_495] {strides = array<i32>} : memref<200x64xf32, #tpu.memory_space<vmem>>, vector<1x16xf32>,
        %get3A_497 = vector.shape_cast %get3A_496 : vector<1x16xf32> to vector<16xf32>
        %swap3A_498 = arith.constant 3 : i32
        %swap3A_499 = arith.index_cast %swap3A_498 : i32 to index
        %swap3A_500 = arith.index_cast %add3A_493 : i32 to index
        %swap3A_501 = arith.constant 0 : index
        %swap3A_502 = tpu.vector_load %arg8[%swap3A_499, %swap3A_500, %swap3A_501] {strides = array<i32>} : memref<4x200x64xf32, #tpu.memory_space<vmem>>, vector<1x1x16xf32>,
        %swap3A_503 = vector.shape_cast %swap3A_502 : vector<1x1x16xf32> to vector<16xf32>
        %swap3A_504 = vector.shape_cast %get3A_497 : vector<16xf32> to vector<1x1x16xf32>
        tpu.vector_store %arg8[%swap3A_499, %swap3A_500, %swap3A_501], %swap3A_504 {add = true, strides = array<i32>} : memref<4x200x64xf32, #tpu.memory_space<vmem>>, vector<1x1x16xf32>,
        %get3A_505 = arith.index_cast %add3A_493 : i32 to index
        %get3A_506 = arith.constant 16 : index
        %get3A_507 = tpu.vector_load %arg7[%get3A_505, %get3A_506] {strides = array<i32>} : memref<200x64xf32, #tpu.memory_space<vmem>>, vector<1x16xf32>,
        %get3A_508 = vector.shape_cast %get3A_507 : vector<1x16xf32> to vector<16xf32>
        %swap3A_509 = arith.constant 3 : i32
        %swap3A_510 = arith.index_cast %swap3A_509 : i32 to index
        %swap3A_511 = arith.index_cast %add3A_493 : i32 to index
        %swap3A_512 = arith.constant 16 : index
        %swap3A_513 = tpu.vector_load %arg8[%swap3A_510, %swap3A_511, %swap3A_512] {strides = array<i32>} : memref<4x200x64xf32, #tpu.memory_space<vmem>>, vector<1x1x16xf32>,
        %swap3A_514 = vector.shape_cast %swap3A_513 : vector<1x1x16xf32> to vector<16xf32>
        %swap3A_515 = vector.shape_cast %get3A_508 : vector<16xf32> to vector<1x1x16xf32>
        tpu.vector_store %arg8[%swap3A_510, %swap3A_511, %swap3A_512], %swap3A_515 {add = true, strides = array<i32>} : memref<4x200x64xf32, #tpu.memory_space<vmem>>, vector<1x1x16xf32>,
        %get3A_516 = arith.index_cast %add3A_493 : i32 to index
        %get3A_517 = arith.constant 32 : index
        %get3A_518 = tpu.vector_load %arg7[%get3A_516, %get3A_517] {strides = array<i32>} : memref<200x64xf32, #tpu.memory_space<vmem>>, vector<1x16xf32>,
        %get3A_519 = vector.shape_cast %get3A_518 : vector<1x16xf32> to vector<16xf32>
        %swap3A_520 = arith.constant 3 : i32
        %swap3A_521 = arith.index_cast %swap3A_520 : i32 to index
        %swap3A_522 = arith.index_cast %add3A_493 : i32 to index
        %swap3A_523 = arith.constant 32 : index
        %swap3A_524 = tpu.vector_load %arg8[%swap3A_521, %swap3A_522, %swap3A_523] {strides = array<i32>} : memref<4x200x64xf32, #tpu.memory_space<vmem>>, vector<1x1x16xf32>,
        %swap3A_525 = vector.shape_cast %swap3A_524 : vector<1x1x16xf32> to vector<16xf32>
        %swap3A_526 = vector.shape_cast %get3A_519 : vector<16xf32> to vector<1x1x16xf32>
        tpu.vector_store %arg8[%swap3A_521, %swap3A_522, %swap3A_523], %swap3A_526 {add = true, strides = array<i32>} : memref<4x200x64xf32, #tpu.memory_space<vmem>>, vector<1x1x16xf32>,
        %get3A_527 = arith.index_cast %add3A_493 : i32 to index
        %get3A_528 = arith.constant 48 : index
        %get3A_529 = tpu.vector_load %arg7[%get3A_527, %get3A_528] {strides = array<i32>} : memref<200x64xf32, #tpu.memory_space<vmem>>, vector<1x16xf32>,
        %get3A_530 = vector.shape_cast %get3A_529 : vector<1x16xf32> to vector<16xf32>
        %swap3A_531 = arith.constant 3 : i32
        %swap3A_532 = arith.index_cast %swap3A_531 : i32 to index
        %swap3A_533 = arith.index_cast %add3A_493 : i32 to index
        %swap3A_534 = arith.constant 48 : index
        %swap3A_535 = tpu.vector_load %arg8[%swap3A_532, %swap3A_533, %swap3A_534] {strides = array<i32>} : memref<4x200x64xf32, #tpu.memory_space<vmem>>, vector<1x1x16xf32>,
        %swap3A_536 = vector.shape_cast %swap3A_535 : vector<1x1x16xf32> to vector<16xf32>
        %swap3A_537 = vector.shape_cast %get3A_530 : vector<16xf32> to vector<1x1x16xf32>
        tpu.vector_store %arg8[%swap3A_532, %swap3A_533, %swap3A_534], %swap3A_537 {add = true, strides = array<i32>} : memref<4x200x64xf32, #tpu.memory_space<vmem>>, vector<1x1x16xf32>,
        %scan3A_538 = arith.constant 2 : i32
        %scan3A_539 = arith.addi %scan3A_441, %scan3A_538 : i32
        %mul3A_540 = arith.constant 1 : i32
        %mul3A_541 = arith.muli %scan3A_539, %mul3A_540 : i32
        %add3A_542 = arith.constant 0 : i32
        %add3A_543 = arith.addi %add3A_542, %mul3A_541 : i32
        %get3A_544 = arith.index_cast %add3A_543 : i32 to index
        %get3A_545 = arith.constant 0 : index
        %get3A_546 = tpu.vector_load %arg7[%get3A_544, %get3A_545] {strides = array<i32>} : memref<200x64xf32, #tpu.memory_space<vmem>>, vector<1x16xf32>,
        %get3A_547 = vector.shape_cast %get3A_546 : vector<1x16xf32> to vector<16xf32>
        %swap3A_548 = arith.constant 3 : i32
        %swap3A_549 = arith.index_cast %swap3A_548 : i32 to index
        %swap3A_550 = arith.index_cast %add3A_543 : i32 to index
        %swap3A_551 = arith.constant 0 : index
        %swap3A_552 = tpu.vector_load %arg8[%swap3A_549, %swap3A_550, %swap3A_551] {strides = array<i32>} : memref<4x200x64xf32, #tpu.memory_space<vmem>>, vector<1x1x16xf32>,
        %swap3A_553 = vector.shape_cast %swap3A_552 : vector<1x1x16xf32> to vector<16xf32>
        %swap3A_554 = vector.shape_cast %get3A_547 : vector<16xf32> to vector<1x1x16xf32>
        tpu.vector_store %arg8[%swap3A_549, %swap3A_550, %swap3A_551], %swap3A_554 {add = true, strides = array<i32>} : memref<4x200x64xf32, #tpu.memory_space<vmem>>, vector<1x1x16xf32>,
        %get3A_555 = arith.index_cast %add3A_543 : i32 to index
        %get3A_556 = arith.constant 16 : index
        %get3A_557 = tpu.vector_load %arg7[%get3A_555, %get3A_556] {strides = array<i32>} : memref<200x64xf32, #tpu.memory_space<vmem>>, vector<1x16xf32>,
        %get3A_558 = vector.shape_cast %get3A_557 : vector<1x16xf32> to vector<16xf32>
        %swap3A_559 = arith.constant 3 : i32
        %swap3A_560 = arith.index_cast %swap3A_559 : i32 to index
        %swap3A_561 = arith.index_cast %add3A_543 : i32 to index
        %swap3A_562 = arith.constant 16 : index
        %swap3A_563 = tpu.vector_load %arg8[%swap3A_560, %swap3A_561, %swap3A_562] {strides = array<i32>} : memref<4x200x64xf32, #tpu.memory_space<vmem>>, vector<1x1x16xf32>,
        %swap3A_564 = vector.shape_cast %swap3A_563 : vector<1x1x16xf32> to vector<16xf32>
        %swap3A_565 = vector.shape_cast %get3A_558 : vector<16xf32> to vector<1x1x16xf32>
        tpu.vector_store %arg8[%swap3A_560, %swap3A_561, %swap3A_562], %swap3A_565 {add = true, strides = array<i32>} : memref<4x200x64xf32, #tpu.memory_space<vmem>>, vector<1x1x16xf32>,
        %get3A_566 = arith.index_cast %add3A_543 : i32 to index
        %get3A_567 = arith.constant 32 : index
        %get3A_568 = tpu.vector_load %arg7[%get3A_566, %get3A_567] {strides = array<i32>} : memref<200x64xf32, #tpu.memory_space<vmem>>, vector<1x16xf32>,
        %get3A_569 = vector.shape_cast %get3A_568 : vector<1x16xf32> to vector<16xf32>
        %swap3A_570 = arith.constant 3 : i32
        %swap3A_571 = arith.index_cast %swap3A_570 : i32 to index
        %swap3A_572 = arith.index_cast %add3A_543 : i32 to index
        %swap3A_573 = arith.constant 32 : index
        %swap3A_574 = tpu.vector_load %arg8[%swap3A_571, %swap3A_572, %swap3A_573] {strides = array<i32>} : memref<4x200x64xf32, #tpu.memory_space<vmem>>, vector<1x1x16xf32>,
        %swap3A_575 = vector.shape_cast %swap3A_574 : vector<1x1x16xf32> to vector<16xf32>
        %swap3A_576 = vector.shape_cast %get3A_569 : vector<16xf32> to vector<1x1x16xf32>
        tpu.vector_store %arg8[%swap3A_571, %swap3A_572, %swap3A_573], %swap3A_576 {add = true, strides = array<i32>} : memref<4x200x64xf32, #tpu.memory_space<vmem>>, vector<1x1x16xf32>,
        %get3A_577 = arith.index_cast %add3A_543 : i32 to index
        %get3A_578 = arith.constant 48 : index
        %get3A_579 = tpu.vector_load %arg7[%get3A_577, %get3A_578] {strides = array<i32>} : memref<200x64xf32, #tpu.memory_space<vmem>>, vector<1x16xf32>,
        %get3A_580 = vector.shape_cast %get3A_579 : vector<1x16xf32> to vector<16xf32>
        %swap3A_581 = arith.constant 3 : i32
        %swap3A_582 = arith.index_cast %swap3A_581 : i32 to index
        %swap3A_583 = arith.index_cast %add3A_543 : i32 to index
        %swap3A_584 = arith.constant 48 : index
        %swap3A_585 = tpu.vector_load %arg8[%swap3A_582, %swap3A_583, %swap3A_584] {strides = array<i32>} : memref<4x200x64xf32, #tpu.memory_space<vmem>>, vector<1x1x16xf32>,
        %swap3A_586 = vector.shape_cast %swap3A_585 : vector<1x1x16xf32> to vector<16xf32>
        %swap3A_587 = vector.shape_cast %get3A_580 : vector<16xf32> to vector<1x1x16xf32>
        tpu.vector_store %arg8[%swap3A_582, %swap3A_583, %swap3A_584], %swap3A_587 {add = true, strides = array<i32>} : memref<4x200x64xf32, #tpu.memory_space<vmem>>, vector<1x1x16xf32>,
        %scan3A_588 = arith.constant 3 : i32
        %scan3A_589 = arith.addi %scan3A_441, %scan3A_588 : i32
        %mul3A_590 = arith.constant 1 : i32
        %mul3A_591 = arith.muli %scan3A_589, %mul3A_590 : i32
        %add3A_592 = arith.constant 0 : i32
        %add3A_593 = arith.addi %add3A_592, %mul3A_591 : i32
        %get3A_594 = arith.index_cast %add3A_593 : i32 to index
        %get3A_595 = arith.constant 0 : index
        %get3A_596 = tpu.vector_load %arg7[%get3A_594, %get3A_595] {strides = array<i32>} : memref<200x64xf32, #tpu.memory_space<vmem>>, vector<1x16xf32>,
        %get3A_597 = vector.shape_cast %get3A_596 : vector<1x16xf32> to vector<16xf32>
        %swap3A_598 = arith.constant 3 : i32
        %swap3A_599 = arith.index_cast %swap3A_598 : i32 to index
        %swap3A_600 = arith.index_cast %add3A_593 : i32 to index
        %swap3A_601 = arith.constant 0 : index
        %swap3A_602 = tpu.vector_load %arg8[%swap3A_599, %swap3A_600, %swap3A_601] {strides = array<i32>} : memref<4x200x64xf32, #tpu.memory_space<vmem>>, vector<1x1x16xf32>,
        %swap3A_603 = vector.shape_cast %swap3A_602 : vector<1x1x16xf32> to vector<16xf32>
        %swap3A_604 = vector.shape_cast %get3A_597 : vector<16xf32> to vector<1x1x16xf32>
        tpu.vector_store %arg8[%swap3A_599, %swap3A_600, %swap3A_601], %swap3A_604 {add = true, strides = array<i32>} : memref<4x200x64xf32, #tpu.memory_space<vmem>>, vector<1x1x16xf32>,
        %get3A_605 = arith.index_cast %add3A_593 : i32 to index
        %get3A_606 = arith.constant 16 : index
        %get3A_607 = tpu.vector_load %arg7[%get3A_605, %get3A_606] {strides = array<i32>} : memref<200x64xf32, #tpu.memory_space<vmem>>, vector<1x16xf32>,
        %get3A_608 = vector.shape_cast %get3A_607 : vector<1x16xf32> to vector<16xf32>
        %swap3A_609 = arith.constant 3 : i32
        %swap3A_610 = arith.index_cast %swap3A_609 : i32 to index
        %swap3A_611 = arith.index_cast %add3A_593 : i32 to index
        %swap3A_612 = arith.constant 16 : index
        %swap3A_613 = tpu.vector_load %arg8[%swap3A_610, %swap3A_611, %swap3A_612] {strides = array<i32>} : memref<4x200x64xf32, #tpu.memory_space<vmem>>, vector<1x1x16xf32>,
        %swap3A_614 = vector.shape_cast %swap3A_613 : vector<1x1x16xf32> to vector<16xf32>
        %swap3A_615 = vector.shape_cast %get3A_608 : vector<16xf32> to vector<1x1x16xf32>
        tpu.vector_store %arg8[%swap3A_610, %swap3A_611, %swap3A_612], %swap3A_615 {add = true, strides = array<i32>} : memref<4x200x64xf32, #tpu.memory_space<vmem>>, vector<1x1x16xf32>,
        %get3A_616 = arith.index_cast %add3A_593 : i32 to index
        %get3A_617 = arith.constant 32 : index
        %get3A_618 = tpu.vector_load %arg7[%get3A_616, %get3A_617] {strides = array<i32>} : memref<200x64xf32, #tpu.memory_space<vmem>>, vector<1x16xf32>,
        %get3A_619 = vector.shape_cast %get3A_618 : vector<1x16xf32> to vector<16xf32>
        %swap3A_620 = arith.constant 3 : i32
        %swap3A_621 = arith.index_cast %swap3A_620 : i32 to index
        %swap3A_622 = arith.index_cast %add3A_593 : i32 to index
        %swap3A_623 = arith.constant 32 : index
        %swap3A_624 = tpu.vector_load %arg8[%swap3A_621, %swap3A_622, %swap3A_623] {strides = array<i32>} : memref<4x200x64xf32, #tpu.memory_space<vmem>>, vector<1x1x16xf32>,
        %swap3A_625 = vector.shape_cast %swap3A_624 : vector<1x1x16xf32> to vector<16xf32>
        %swap3A_626 = vector.shape_cast %get3A_619 : vector<16xf32> to vector<1x1x16xf32>
        tpu.vector_store %arg8[%swap3A_621, %swap3A_622, %swap3A_623], %swap3A_626 {add = true, strides = array<i32>} : memref<4x200x64xf32, #tpu.memory_space<vmem>>, vector<1x1x16xf32>,
        %get3A_627 = arith.index_cast %add3A_593 : i32 to index
        %get3A_628 = arith.constant 48 : index
        %get3A_629 = tpu.vector_load %arg7[%get3A_627, %get3A_628] {strides = array<i32>} : memref<200x64xf32, #tpu.memory_space<vmem>>, vector<1x16xf32>,
        %get3A_630 = vector.shape_cast %get3A_629 : vector<1x16xf32> to vector<16xf32>
        %swap3A_631 = arith.constant 3 : i32
        %swap3A_632 = arith.index_cast %swap3A_631 : i32 to index
        %swap3A_633 = arith.index_cast %add3A_593 : i32 to index
        %swap3A_634 = arith.constant 48 : index
        %swap3A_635 = tpu.vector_load %arg8[%swap3A_632, %swap3A_633, %swap3A_634] {strides = array<i32>} : memref<4x200x64xf32, #tpu.memory_space<vmem>>, vector<1x1x16xf32>,
        %swap3A_636 = vector.shape_cast %swap3A_635 : vector<1x1x16xf32> to vector<16xf32>
        %swap3A_637 = vector.shape_cast %get3A_630 : vector<16xf32> to vector<1x1x16xf32>
        tpu.vector_store %arg8[%swap3A_632, %swap3A_633, %swap3A_634], %swap3A_637 {add = true, strides = array<i32>} : memref<4x200x64xf32, #tpu.memory_space<vmem>>, vector<1x1x16xf32>,
      }
      %scan3A_412 = arith.constant 200 : i32
      %add3A_413 = arith.addi %mul3A_2, %add3A_377 : i32
      %dma_start3A_414 = arith.constant 3 : i32
      %dma_start3A_415 = arith.constant 3 : i32
      %dma_start3A_416 = arith.constant 0 : i32
      %dma_start3A_417 = arith.constant 0 : i32
      %dma_start3A_418 = tpu.memref_slice %arg8[%dma_start3A_414, %dma_start3A_416, %dma_start3A_417] : memref<4x200x64xf32, #tpu.memory_space<vmem>> -> memref<1x200x64xf32, #tpu.memory_space<vmem>>
      %dma_start3A_419 = tpu.memref_squeeze %dma_start3A_418 : memref<1x200x64xf32, #tpu.memory_space<vmem>> -> memref<200x64xf32, #tpu.memory_space<vmem>>
      %dma_start3A_420 = arith.constant 0 : i32
      %dma_start3A_421 = arith.constant 0 : i32
      %dma_start3A_422 = tpu.memref_slice %arg5[%add3A_413, %dma_start3A_420, %dma_start3A_421] : memref<1024x200x64xf32, #tpu.memory_space<hbm>> -> memref<1x200x64xf32, #tpu.memory_space<hbm>>
      %dma_start3A_423 = tpu.memref_squeeze %dma_start3A_422 : memref<1x200x64xf32, #tpu.memory_space<hbm>> -> memref<200x64xf32, #tpu.memory_space<hbm>>
      %dma_start3A_424 = tpu.memref_slice %arg10[%dma_start3A_415] : memref<4x!tpu.dma_semaphore, #tpu.memory_space<semaphore_mem>> -> memref<1x!tpu.dma_semaphore, #tpu.memory_space<semaphore_mem>>
      %dma_start3A_425 = tpu.memref_squeeze %dma_start3A_424 : memref<1x!tpu.dma_semaphore, #tpu.memory_space<semaphore_mem>> -> memref<!tpu.dma_semaphore, #tpu.memory_space<semaphore_mem>>
      %dma_start3A_426 = arith.constant 0 : i32
      %dma_start3A_427 = arith.constant 0 : i32
      %dma_start3A_428 = tpu.memref_slice %arg5[%add3A_413, %dma_start3A_426, %dma_start3A_427] : memref<1024x200x64xf32, #tpu.memory_space<hbm>> -> memref<1x200x64xf32, #tpu.memory_space<hbm>>
      %dma_start3A_429 = tpu.memref_squeeze %dma_start3A_428 : memref<1x200x64xf32, #tpu.memory_space<hbm>> -> memref<200x64xf32, #tpu.memory_space<hbm>>
      %dma_start3A_430 = arith.constant 0 : i32
      %dma_start3A_431 = arith.constant 0 : i32
      %dma_start3A_432 = tpu.memref_slice %arg8[%dma_start3A_414, %dma_start3A_430, %dma_start3A_431] : memref<4x200x64xf32, #tpu.memory_space<vmem>> -> memref<1x200x64xf32, #tpu.memory_space<vmem>>
      %dma_start3A_433 = tpu.memref_squeeze %dma_start3A_432 : memref<1x200x64xf32, #tpu.memory_space<vmem>> -> memref<200x64xf32, #tpu.memory_space<vmem>>
      tpu.enqueue_dma source(%dma_start3A_433 : memref<200x64xf32, #tpu.memory_space<vmem>>) target(%dma_start3A_429 : memref<200x64xf32, #tpu.memory_space<hbm>>) target_semaphore(%dma_start3A_425 : memref<!tpu.dma_semaphore, #tpu.memory_space<semaphore_mem>>)
      %add3A_434 = arith.constant 3 : i32
      %add3A_435 = arith.addi %add3A_377, %add3A_434 : i32
      %lt3A_436 = arith.constant 32 : i32
      %lt3A_437 = arith.cmpi slt, %add3A_435, %lt3A_436 : i32
      %convert_element_type3A_438 = arith.extui %lt3A_437 : i1 to i32
      %cond3A_439 = arith.constant 0 : i32
      %cond3A_440 = arith.cmpi ne, %convert_element_type3A_438, %cond3A_439 : i32
      scf.if %cond3A_440 {
        %ge3A = arith.constant 4 : i32
        %ge3A_441 = arith.cmpi sge, %add3A_435, %ge3A : i32
        %convert_element_type3A_442 = arith.extui %ge3A_441 : i1 to i32
        %cond3A_443 = arith.constant 0 : i32
        %cond3A_444 = arith.cmpi ne, %convert_element_type3A_442, %cond3A_443 : i32
        scf.if %cond3A_444 {
          %dma_wait3A_473 = arith.constant 2 : i32
          %dma_wait3A_474 = arith.constant 0 : i32
          %dma_wait3A_475 = arith.constant 2 : i32
          %dma_wait3A_476 = arith.constant 0 : i32
          %dma_wait3A_477 = arith.constant 0 : i32
          %dma_wait3A_478 = tpu.memref_slice %arg8[%dma_wait3A_473, %dma_wait3A_476, %dma_wait3A_477] : memref<4x200x64xf32, #tpu.memory_space<vmem>> -> memref<1x200x64xf32, #tpu.memory_space<vmem>>
          %dma_wait3A_479 = tpu.memref_squeeze %dma_wait3A_478 : memref<1x200x64xf32, #tpu.memory_space<vmem>> -> memref<200x64xf32, #tpu.memory_space<vmem>>
          %dma_wait3A_480 = arith.constant 0 : i32
          %dma_wait3A_481 = arith.constant 0 : i32
          %dma_wait3A_482 = tpu.memref_slice %arg5[%dma_wait3A_474, %dma_wait3A_480, %dma_wait3A_481] : memref<1024x200x64xf32, #tpu.memory_space<hbm>> -> memref<1x200x64xf32, #tpu.memory_space<hbm>>
          %dma_wait3A_483 = tpu.memref_squeeze %dma_wait3A_482 : memref<1x200x64xf32, #tpu.memory_space<hbm>> -> memref<200x64xf32, #tpu.memory_space<hbm>>
          %dma_wait3A_484 = tpu.memref_slice %arg10[%dma_wait3A_475] : memref<4x!tpu.dma_semaphore, #tpu.memory_space<semaphore_mem>> -> memref<1x!tpu.dma_semaphore, #tpu.memory_space<semaphore_mem>>
          %dma_wait3A_485 = tpu.memref_squeeze %dma_wait3A_484 : memref<1x!tpu.dma_semaphore, #tpu.memory_space<semaphore_mem>> -> memref<!tpu.dma_semaphore, #tpu.memory_space<semaphore_mem>>
          %dma_wait3A_486 = arith.constant 0 : i32
          %dma_wait3A_487 = arith.constant 0 : i32
          %dma_wait3A_488 = tpu.memref_slice %arg5[%dma_wait3A_474, %dma_wait3A_486, %dma_wait3A_487] : memref<1024x200x64xf32, #tpu.memory_space<hbm>> -> memref<1x200x64xf32, #tpu.memory_space<hbm>>
          %dma_wait3A_489 = tpu.memref_squeeze %dma_wait3A_488 : memref<1x200x64xf32, #tpu.memory_space<hbm>> -> memref<200x64xf32, #tpu.memory_space<hbm>>
          %dma_wait3A_490 = arith.constant 0 : i32
          %dma_wait3A_491 = arith.constant 0 : i32
          %dma_wait3A_492 = tpu.memref_slice %arg8[%dma_wait3A_473, %dma_wait3A_490, %dma_wait3A_491] : memref<4x200x64xf32, #tpu.memory_space<vmem>> -> memref<1x200x64xf32, #tpu.memory_space<vmem>>
          %dma_wait3A_493 = tpu.memref_squeeze %dma_wait3A_492 : memref<1x200x64xf32, #tpu.memory_space<vmem>> -> memref<200x64xf32, #tpu.memory_space<vmem>>
          tpu.wait_dma2 semaphore(%dma_wait3A_485 : memref<!tpu.dma_semaphore, #tpu.memory_space<semaphore_mem>>) src(%dma_wait3A_493 : memref<200x64xf32, #tpu.memory_space<vmem>>) dst(%dma_wait3A_489 : memref<200x64xf32, #tpu.memory_space<hbm>>)
        } else {
        }
        %dma_start3A_445 = arith.constant 2 : i32
        %dma_start3A_446 = arith.constant 2 : i32
        %dma_start3A_447 = arith.constant 0 : i32
        %dma_start3A_448 = arith.constant 0 : i32
        %dma_start3A_449 = tpu.memref_slice %arg8[%dma_start3A_445, %dma_start3A_447, %dma_start3A_448] : memref<4x200x64xf32, #tpu.memory_space<vmem>> -> memref<1x104x64xf32, #tpu.memory_space<vmem>>
        %dma_start3A_450 = tpu.memref_squeeze %dma_start3A_449 : memref<1x104x64xf32, #tpu.memory_space<vmem>> -> memref<104x64xf32, #tpu.memory_space<vmem>>
        %dma_start3A_451 = arith.constant 0 : i32
        %dma_start3A_452 = tpu.memref_slice %arg6[%add3A_435, %dma_start3A_451] : memref<32x200xi32, #tpu.memory_space<vmem>> -> memref<1x104xi32, #tpu.memory_space<vmem>>
        %dma_start3A_453 = tpu.memref_squeeze %dma_start3A_452 : memref<1x104xi32, #tpu.memory_space<vmem>> -> memref<104xi32, #tpu.memory_space<vmem>>
        %dma_start3A_454 = arith.constant 0 : i32
        %dma_start3A_455 = arith.constant 0 : i32
        %dma_start3A_456 = tpu.memref_slice %arg3[%dma_start3A_454, %dma_start3A_455] : memref<1000000x64xf32, #tpu.memory_space<hbm>> -> memref<1000000x64xf32, #tpu.memory_space<hbm>>
        %dma_start3A_457 = tpu.memref_slice %arg9[%dma_start3A_446] : memref<4x!tpu.dma_semaphore, #tpu.memory_space<semaphore_mem>> -> memref<1x!tpu.dma_semaphore, #tpu.memory_space<semaphore_mem>>
        %dma_start3A_458 = tpu.memref_squeeze %dma_start3A_457 : memref<1x!tpu.dma_semaphore, #tpu.memory_space<semaphore_mem>> -> memref<!tpu.dma_semaphore, #tpu.memory_space<semaphore_mem>>
        tpu.enqueue_indirect_dma source(%dma_start3A_456 : memref<1000000x64xf32, #tpu.memory_space<hbm>>) target(%dma_start3A_450 : memref<104x64xf32, #tpu.memory_space<vmem>>) offsets(%dma_start3A_453 : memref<104xi32, #tpu.memory_space<vmem>>) semaphore(%dma_start3A_458 : memref<!tpu.dma_semaphore, #tpu.memory_space<semaphore_mem>>)
        %dma_start3A_459 = arith.constant 2 : i32
        %dma_start3A_460 = arith.constant 2 : i32
        %dma_start3A_461 = arith.constant 104 : i32
        %dma_start3A_462 = arith.constant 0 : i32
        %dma_start3A_463 = tpu.memref_slice %arg8[%dma_start3A_459, %dma_start3A_461, %dma_start3A_462] : memref<4x200x64xf32, #tpu.memory_space<vmem>> -> memref<1x96x64xf32, #tpu.memory_space<vmem>>
        %dma_start3A_464 = tpu.memref_squeeze %dma_start3A_463 : memref<1x96x64xf32, #tpu.memory_space<vmem>> -> memref<96x64xf32, #tpu.memory_space<vmem>>
        %dma_start3A_465 = arith.constant 104 : i32
        %dma_start3A_466 = tpu.memref_slice %arg6[%add3A_435, %dma_start3A_465] : memref<32x200xi32, #tpu.memory_space<vmem>> -> memref<1x96xi32, #tpu.memory_space<vmem>>
        %dma_start3A_467 = tpu.memref_squeeze %dma_start3A_466 : memref<1x96xi32, #tpu.memory_space<vmem>> -> memref<96xi32, #tpu.memory_space<vmem>>
        %dma_start3A_468 = arith.constant 0 : i32
        %dma_start3A_469 = arith.constant 0 : i32
        %dma_start3A_470 = tpu.memref_slice %arg3[%dma_start3A_468, %dma_start3A_469] : memref<1000000x64xf32, #tpu.memory_space<hbm>> -> memref<1000000x64xf32, #tpu.memory_space<hbm>>
        %dma_start3A_471 = tpu.memref_slice %arg9[%dma_start3A_460] : memref<4x!tpu.dma_semaphore, #tpu.memory_space<semaphore_mem>> -> memref<1x!tpu.dma_semaphore, #tpu.memory_space<semaphore_mem>>
        %dma_start3A_472 = tpu.memref_squeeze %dma_start3A_471 : memref<1x!tpu.dma_semaphore, #tpu.memory_space<semaphore_mem>> -> memref<!tpu.dma_semaphore, #tpu.memory_space<semaphore_mem>>
        tpu.enqueue_indirect_dma source(%dma_start3A_470 : memref<1000000x64xf32, #tpu.memory_space<hbm>>) target(%dma_start3A_464 : memref<96x64xf32, #tpu.memory_space<vmem>>) offsets(%dma_start3A_467 : memref<96xi32, #tpu.memory_space<vmem>>) semaphore(%dma_start3A_472 : memref<!tpu.dma_semaphore, #tpu.memory_space<semaphore_mem>>)
      } else {
      }
    }
    %scan3A_95 = arith.constant 8 : i32
    %dma_wait3A = arith.constant 0 : i32
    %dma_wait3A_96 = arith.constant 0 : i32
    %dma_wait3A_97 = arith.constant 0 : i32
    %dma_wait3A_98 = arith.constant 0 : i32
    %dma_wait3A_99 = arith.constant 0 : i32
    %dma_wait3A_100 = tpu.memref_slice %arg8[%dma_wait3A, %dma_wait3A_98, %dma_wait3A_99] : memref<4x200x64xf32, #tpu.memory_space<vmem>> -> memref<1x200x64xf32, #tpu.memory_space<vmem>>
    %dma_wait3A_101 = tpu.memref_squeeze %dma_wait3A_100 : memref<1x200x64xf32, #tpu.memory_space<vmem>> -> memref<200x64xf32, #tpu.memory_space<vmem>>
    %dma_wait3A_102 = arith.constant 0 : i32
    %dma_wait3A_103 = arith.constant 0 : i32
    %dma_wait3A_104 = tpu.memref_slice %arg5[%dma_wait3A_96, %dma_wait3A_102, %dma_wait3A_103] : memref<1024x200x64xf32, #tpu.memory_space<hbm>> -> memref<1x200x64xf32, #tpu.memory_space<hbm>>
    %dma_wait3A_105 = tpu.memref_squeeze %dma_wait3A_104 : memref<1x200x64xf32, #tpu.memory_space<hbm>> -> memref<200x64xf32, #tpu.memory_space<hbm>>
    %dma_wait3A_106 = tpu.memref_slice %arg10[%dma_wait3A_97] : memref<4x!tpu.dma_semaphore, #tpu.memory_space<semaphore_mem>> -> memref<1x!tpu.dma_semaphore, #tpu.memory_space<semaphore_mem>>
    %dma_wait3A_107 = tpu.memref_squeeze %dma_wait3A_106 : memref<1x!tpu.dma_semaphore, #tpu.memory_space<semaphore_mem>> -> memref<!tpu.dma_semaphore, #tpu.memory_space<semaphore_mem>>
    %dma_wait3A_108 = arith.constant 0 : i32
    %dma_wait3A_109 = arith.constant 0 : i32
    %dma_wait3A_110 = tpu.memref_slice %arg5[%dma_wait3A_96, %dma_wait3A_108, %dma_wait3A_109] : memref<1024x200x64xf32, #tpu.memory_space<hbm>> -> memref<1x200x64xf32, #tpu.memory_space<hbm>>
    %dma_wait3A_111 = tpu.memref_squeeze %dma_wait3A_110 : memref<1x200x64xf32, #tpu.memory_space<hbm>> -> memref<200x64xf32, #tpu.memory_space<hbm>>
    %dma_wait3A_112 = arith.constant 0 : i32
    %dma_wait3A_113 = arith.constant 0 : i32
    %dma_wait3A_114 = tpu.memref_slice %arg8[%dma_wait3A, %dma_wait3A_112, %dma_wait3A_113] : memref<4x200x64xf32, #tpu.memory_space<vmem>> -> memref<1x200x64xf32, #tpu.memory_space<vmem>>
    %dma_wait3A_115 = tpu.memref_squeeze %dma_wait3A_114 : memref<1x200x64xf32, #tpu.memory_space<vmem>> -> memref<200x64xf32, #tpu.memory_space<vmem>>
    tpu.wait_dma2 semaphore(%dma_wait3A_107 : memref<!tpu.dma_semaphore, #tpu.memory_space<semaphore_mem>>) src(%dma_wait3A_115 : memref<200x64xf32, #tpu.memory_space<vmem>>) dst(%dma_wait3A_111 : memref<200x64xf32, #tpu.memory_space<hbm>>)
    %dma_wait3A_116 = arith.constant 1 : i32
    %dma_wait3A_117 = arith.constant 0 : i32
    %dma_wait3A_118 = arith.constant 1 : i32
    %dma_wait3A_119 = arith.constant 0 : i32
    %dma_wait3A_120 = arith.constant 0 : i32
    %dma_wait3A_121 = tpu.memref_slice %arg8[%dma_wait3A_116, %dma_wait3A_119, %dma_wait3A_120] : memref<4x200x64xf32, #tpu.memory_space<vmem>> -> memref<1x200x64xf32, #tpu.memory_space<vmem>>
    %dma_wait3A_122 = tpu.memref_squeeze %dma_wait3A_121 : memref<1x200x64xf32, #tpu.memory_space<vmem>> -> memref<200x64xf32, #tpu.memory_space<vmem>>
    %dma_wait3A_123 = arith.constant 0 : i32
    %dma_wait3A_124 = arith.constant 0 : i32
    %dma_wait3A_125 = tpu.memref_slice %arg5[%dma_wait3A_117, %dma_wait3A_123, %dma_wait3A_124] : memref<1024x200x64xf32, #tpu.memory_space<hbm>> -> memref<1x200x64xf32, #tpu.memory_space<hbm>>
    %dma_wait3A_126 = tpu.memref_squeeze %dma_wait3A_125 : memref<1x200x64xf32, #tpu.memory_space<hbm>> -> memref<200x64xf32, #tpu.memory_space<hbm>>
    %dma_wait3A_127 = tpu.memref_slice %arg10[%dma_wait3A_118] : memref<4x!tpu.dma_semaphore, #tpu.memory_space<semaphore_mem>> -> memref<1x!tpu.dma_semaphore, #tpu.memory_space<semaphore_mem>>
    %dma_wait3A_128 = tpu.memref_squeeze %dma_wait3A_127 : memref<1x!tpu.dma_semaphore, #tpu.memory_space<semaphore_mem>> -> memref<!tpu.dma_semaphore, #tpu.memory_space<semaphore_mem>>
    %dma_wait3A_129 = arith.constant 0 : i32
    %dma_wait3A_130 = arith.constant 0 : i32
    %dma_wait3A_131 = tpu.memref_slice %arg5[%dma_wait3A_117, %dma_wait3A_129, %dma_wait3A_130] : memref<1024x200x64xf32, #tpu.memory_space<hbm>> -> memref<1x200x64xf32, #tpu.memory_space<hbm>>
    %dma_wait3A_132 = tpu.memref_squeeze %dma_wait3A_131 : memref<1x200x64xf32, #tpu.memory_space<hbm>> -> memref<200x64xf32, #tpu.memory_space<hbm>>
    %dma_wait3A_133 = arith.constant 0 : i32
    %dma_wait3A_134 = arith.constant 0 : i32
    %dma_wait3A_135 = tpu.memref_slice %arg8[%dma_wait3A_116, %dma_wait3A_133, %dma_wait3A_134] : memref<4x200x64xf32, #tpu.memory_space<vmem>> -> memref<1x200x64xf32, #tpu.memory_space<vmem>>
    %dma_wait3A_136 = tpu.memref_squeeze %dma_wait3A_135 : memref<1x200x64xf32, #tpu.memory_space<vmem>> -> memref<200x64xf32, #tpu.memory_space<vmem>>
    tpu.wait_dma2 semaphore(%dma_wait3A_128 : memref<!tpu.dma_semaphore, #tpu.memory_space<semaphore_mem>>) src(%dma_wait3A_136 : memref<200x64xf32, #tpu.memory_space<vmem>>) dst(%dma_wait3A_132 : memref<200x64xf32, #tpu.memory_space<hbm>>)
    %dma_wait3A_137 = arith.constant 2 : i32
    %dma_wait3A_138 = arith.constant 0 : i32
    %dma_wait3A_139 = arith.constant 2 : i32
    %dma_wait3A_140 = arith.constant 0 : i32
    %dma_wait3A_141 = arith.constant 0 : i32
    %dma_wait3A_142 = tpu.memref_slice %arg8[%dma_wait3A_137, %dma_wait3A_140, %dma_wait3A_141] : memref<4x200x64xf32, #tpu.memory_space<vmem>> -> memref<1x200x64xf32, #tpu.memory_space<vmem>>
    %dma_wait3A_143 = tpu.memref_squeeze %dma_wait3A_142 : memref<1x200x64xf32, #tpu.memory_space<vmem>> -> memref<200x64xf32, #tpu.memory_space<vmem>>
    %dma_wait3A_144 = arith.constant 0 : i32
    %dma_wait3A_145 = arith.constant 0 : i32
    %dma_wait3A_146 = tpu.memref_slice %arg5[%dma_wait3A_138, %dma_wait3A_144, %dma_wait3A_145] : memref<1024x200x64xf32, #tpu.memory_space<hbm>> -> memref<1x200x64xf32, #tpu.memory_space<hbm>>
    %dma_wait3A_147 = tpu.memref_squeeze %dma_wait3A_146 : memref<1x200x64xf32, #tpu.memory_space<hbm>> -> memref<200x64xf32, #tpu.memory_space<hbm>>
    %dma_wait3A_148 = tpu.memref_slice %arg10[%dma_wait3A_139] : memref<4x!tpu.dma_semaphore, #tpu.memory_space<semaphore_mem>> -> memref<1x!tpu.dma_semaphore, #tpu.memory_space<semaphore_mem>>
    %dma_wait3A_149 = tpu.memref_squeeze %dma_wait3A_148 : memref<1x!tpu.dma_semaphore, #tpu.memory_space<semaphore_mem>> -> memref<!tpu.dma_semaphore, #tpu.memory_space<semaphore_mem>>
    %dma_wait3A_150 = arith.constant 0 : i32
    %dma_wait3A_151 = arith.constant 0 : i32
    %dma_wait3A_152 = tpu.memref_slice %arg5[%dma_wait3A_138, %dma_wait3A_150, %dma_wait3A_151] : memref<1024x200x64xf32, #tpu.memory_space<hbm>> -> memref<1x200x64xf32, #tpu.memory_space<hbm>>
    %dma_wait3A_153 = tpu.memref_squeeze %dma_wait3A_152 : memref<1x200x64xf32, #tpu.memory_space<hbm>> -> memref<200x64xf32, #tpu.memory_space<hbm>>
    %dma_wait3A_154 = arith.constant 0 : i32
    %dma_wait3A_155 = arith.constant 0 : i32
    %dma_wait3A_156 = tpu.memref_slice %arg8[%dma_wait3A_137, %dma_wait3A_154, %dma_wait3A_155] : memref<4x200x64xf32, #tpu.memory_space<vmem>> -> memref<1x200x64xf32, #tpu.memory_space<vmem>>
    %dma_wait3A_157 = tpu.memref_squeeze %dma_wait3A_156 : memref<1x200x64xf32, #tpu.memory_space<vmem>> -> memref<200x64xf32, #tpu.memory_space<vmem>>
    tpu.wait_dma2 semaphore(%dma_wait3A_149 : memref<!tpu.dma_semaphore, #tpu.memory_space<semaphore_mem>>) src(%dma_wait3A_157 : memref<200x64xf32, #tpu.memory_space<vmem>>) dst(%dma_wait3A_153 : memref<200x64xf32, #tpu.memory_space<hbm>>)
    %dma_wait3A_158 = arith.constant 3 : i32
    %dma_wait3A_159 = arith.constant 0 : i32
    %dma_wait3A_160 = arith.constant 3 : i32
    %dma_wait3A_161 = arith.constant 0 : i32
    %dma_wait3A_162 = arith.constant 0 : i32
    %dma_wait3A_163 = tpu.memref_slice %arg8[%dma_wait3A_158, %dma_wait3A_161, %dma_wait3A_162] : memref<4x200x64xf32, #tpu.memory_space<vmem>> -> memref<1x200x64xf32, #tpu.memory_space<vmem>>
    %dma_wait3A_164 = tpu.memref_squeeze %dma_wait3A_163 : memref<1x200x64xf32, #tpu.memory_space<vmem>> -> memref<200x64xf32, #tpu.memory_space<vmem>>
    %dma_wait3A_165 = arith.constant 0 : i32
    %dma_wait3A_166 = arith.constant 0 : i32
    %dma_wait3A_167 = tpu.memref_slice %arg5[%dma_wait3A_159, %dma_wait3A_165, %dma_wait3A_166] : memref<1024x200x64xf32, #tpu.memory_space<hbm>> -> memref<1x200x64xf32, #tpu.memory_space<hbm>>
    %dma_wait3A_168 = tpu.memref_squeeze %dma_wait3A_167 : memref<1x200x64xf32, #tpu.memory_space<hbm>> -> memref<200x64xf32, #tpu.memory_space<hbm>>
    %dma_wait3A_169 = tpu.memref_slice %arg10[%dma_wait3A_160] : memref<4x!tpu.dma_semaphore, #tpu.memory_space<semaphore_mem>> -> memref<1x!tpu.dma_semaphore, #tpu.memory_space<semaphore_mem>>
    %dma_wait3A_170 = tpu.memref_squeeze %dma_wait3A_169 : memref<1x!tpu.dma_semaphore, #tpu.memory_space<semaphore_mem>> -> memref<!tpu.dma_semaphore, #tpu.memory_space<semaphore_mem>>
    %dma_wait3A_171 = arith.constant 0 : i32
    %dma_wait3A_172 = arith.constant 0 : i32
    %dma_wait3A_173 = tpu.memref_slice %arg5[%dma_wait3A_159, %dma_wait3A_171, %dma_wait3A_172] : memref<1024x200x64xf32, #tpu.memory_space<hbm>> -> memref<1x200x64xf32, #tpu.memory_space<hbm>>
    %dma_wait3A_174 = tpu.memref_squeeze %dma_wait3A_173 : memref<1x200x64xf32, #tpu.memory_space<hbm>> -> memref<200x64xf32, #tpu.memory_space<hbm>>
    %dma_wait3A_175 = arith.constant 0 : i32
    %dma_wait3A_176 = arith.constant 0 : i32
    %dma_wait3A_177 = tpu.memref_slice %arg8[%dma_wait3A_158, %dma_wait3A_175, %dma_wait3A_176] : memref<4x200x64xf32, #tpu.memory_space<vmem>> -> memref<1x200x64xf32, #tpu.memory_space<vmem>>
    %dma_wait3A_178 = tpu.memref_squeeze %dma_wait3A_177 : memref<1x200x64xf32, #tpu.memory_space<vmem>> -> memref<200x64xf32, #tpu.memory_space<vmem>>
    tpu.wait_dma2 semaphore(%dma_wait3A_170 : memref<!tpu.dma_semaphore, #tpu.memory_space<semaphore_mem>>) src(%dma_wait3A_178 : memref<200x64xf32, #tpu.memory_space<vmem>>) dst(%dma_wait3A_174 : memref<200x64xf32, #tpu.memory_space<hbm>>)
    return
  }
}

</mosaic_0001>

<sc_bundles>
// kernel: kernel.3.cloned.1.call-start
scs
__scs_entry_jumppad:
0x0: {  	(pc) =	sbr.rel $0x88, $3  }
0x1: {  	(tag) =	ssettag $0x0;
	lr =	simm.s32 $0x1  }
0x2: {  	[smem:$0x3F9E] =	sst lr;
	_ =	strace $0xD0000000  }
0x3: {  	_ = 	snop  }
0x4: {  	_ = 	snop  }
0x5: {  	_ = 	snop  }
0x6: {  	_ = 	snop  }
0x7: {  	_ = 	snop  }
__scs_overlays_trampoline_lowered:
0x8: {  	[smem:$0x3FAD] =	sst s0  }
0x9: {  	[smem:$0x3FAE] =	sst s1  }
0xa: {  	[smem:$0x3FAF] =	sst s2  }
0xb: {  	[smem:$0x3FB0] =	sst s3  }
0xc: {  	[smem:$0x3FB1] =	sst s4  }
0xd: {  	[smem:$0x3FB2] =	sst s5  }
0xe: {  	[smem:$0x3FB3] =	sst s6  }
0xf: {  	[smem:$0x3FB4] =	sst s7  }
0x10: {  	[smem:$0x3FB5] =	sst s8  }
0x11: {  	[smem:$0x3FB6] =	sst s9;
	s0 =	simm.s32 @!p0 $0x0  }
0x12: {  	s1 =	sld [smem:$0x3F9C];
	s0 =	simm.s32 @p0 $0x1  }
0x13: {  	[smem:$0x3FB7] =	sst s0;
	s0 =	simm.s32 @!p1 $0x0  }
0x14: {  	s2 =	sld [smem:$0x3F9B];
	s0 =	simm.s32 @p1 $0x1  }
0x15: {  	[smem:$0x3FB8] =	sst s0;
	s0 =	simm.s32 @!p2 $0x0  }
0x16: {  	s3 =	sld [smem:$0x3FDB];
	s0 =	simm.s32 @p2 $0x1  }
0x17: {  	s4 =	simm.s32 $0x1BF5;
	[smem:$0x3FBA] =	sst s0  }
0x18: {  	s0 =	sld [smem:$0x3F9D];
	_ =	swait.ge [sflag:s4], $0x0  }
0x19: {  	s7 =	sld [smem:$0x3F9E]  }
0x1a: {  	s8 =	sadd.s32 $0xFFFFE003, lr  }
0x1b: {  	s9 =	sadd.s32 $0xFFFFFEF7, lr;
	s5 =	simm.s32 $0xFFFFFFFF;
	p2 =	slt.u32 s8, $0xFFFFF086  }
0x1c: {  	p1 =	slt.u32 s9, $0xF7A;
	s5 =	simm.s32 @!p2 $0x0  }
0x1d: {  	s5 =	simm.s32 @p1 $0x1;
	p0 =	seq.s32 s7, s2  }
0x1e: {  	s7 =	smul.u32 @!p0 $0xF7A, s2;
	p2 =	seq.s32 @!p0 s5, $0x0  }
0x1f: {  	s9 =	smul.u32 $0xF7A, s1;
	s8 =	simm.s32 @!p0 $0x1BF5;
	p2 =	por !p2, p0  }
0x20: {  	[sflag:s8] =	ssyncset.s32 @!p0 $0xFFFFF086;
	s6 =	sadd.s32 @!p0 s3, s7;
	s7 =	simm.s32 @!p0 $0x108  }
0x21: {  	s3 =	sadd.s32 s3, s9;
	s6 =	sadd.s32 @!p0 $0x88, s6;
	s7 =	simm.s32 @p2 $0x1082  }
0x22: {  	[simem:s7], [sflag:s8] =	dma.local @!p0 [hbm:s6], $0xF7A  }
0x23: {  	s9 =	sor.u32 $0xD0000000, s2;
	s6 =	simm.s32 $0x108;
	_ =	swait.ge @!p0 [sflag:s8], $0x0  }
0x24: {  	s3 =	sadd.s32 $0x88, s3;
	s6 =	simm.s32 @!p1 $0x1082;
	[sflag:s4] =	ssyncset.s32 $0xFFFFF086  }
0x25: {  	[simem:s6], [sflag:s4] =	dma.local [hbm:s3], $0xF7A  }
0x26: {  	[smem:$0x3F9E] =	sst s1;
	(tag) =	ssettag s2;
	_ =	strace s9  }
0x27: {  	s1 =	sld [smem:$0x3FAE]  }
0x28: {  	s2 =	sld [smem:$0x3FAF]  }
0x29: {  	s4 =	sld [smem:$0x3FB1]  }
0x2a: {  	p0 =	seq.s32 s5, $0x0;
	s5 =	sld [smem:$0x3FB2]  }
0x2b: {  	s6 =	sld [smem:$0x3FB3]  }
0x2c: {  	s7 =	sld [smem:$0x3FB4]  }
0x2d: {  	s3 =	simm.s32 $0x108;
	s8 =	sld [smem:$0x3FB5]  }
0x2e: {  	s3 =	simm.s32 @!p0 $0x1082;
	s9 =	sld [smem:$0x3FB6]  }
0x2f: {  	lr =	sadd.s32 s0, s3;
	s0 =	sld [smem:$0x3FAD]  }
0x30: {  	s3 =	sld [smem:$0x3FB0]  }
0x31: {  	[smem:$0x3FB9] =	sst s10  }
0x32: {  	s10 =	sld [smem:$0x3FB7];
	_ =	sdelay $0x3  }
0x33: {  	p0 =	seq.s32 s10, $0x1;
	s10 =	sld [smem:$0x3FB9];
	_ =	sdelay $0x3  }
0x34: {  	[smem:$0x3FB9] =	sst s10  }
0x35: {  	s10 =	sld [smem:$0x3FB8];
	_ =	sdelay $0x3  }
0x36: {  	p1 =	seq.s32 s10, $0x1;
	s10 =	sld [smem:$0x3FB9];
	_ =	sdelay $0x3  }
0x37: {  	[smem:$0x3FB9] =	sst s10  }
0x38: {  	s10 =	sld [smem:$0x3FBA]  }
0x39: {  	_ = 	snop;
	(pc) =	sbr.ind lr, $3  }
0x3a: {  	_ = 	snop  }
0x3b: {  	_ = 	snop  }
0x3c: {  	p2 =	seq.s32 s10, $0x1;
	s10 =	sld [smem:$0x3FB9]  }
0x3d: {  	_ =	shalt  }
0x3e: {  	_ =	shalt  }
0x3f: {  	_ =	shalt  }
0x40: {  	_ =	shalt  }
0x41: {  	_ =	shalt  }
0x42: {  	_ =	shalt  }
0x43: {  	_ =	shalt  }
0x44: {  	_ =	shalt  }
0x45: {  	_ =	shalt  }
0x46: {  	_ =	shalt  }
0x47: {  	_ =	shalt  }
0x48: {  	_ =	shalt  }
0x49: {  	_ =	shalt  }
0x4a: {  	_ =	shalt  }
0x4b: {  	_ =	shalt  }
0x4c: {  	_ =	shalt  }
0x4d: {  	_ =	shalt  }
0x4e: {  	_ =	shalt  }
0x4f: {  	_ =	shalt  }
0x50: {  	_ =	shalt  }
0x51: {  	_ =	shalt  }
0x52: {  	_ =	shalt  }
0x53: {  	_ =	shalt  }
0x54: {  	_ =	shalt  }
0x55: {  	_ =	shalt  }
0x56: {  	_ =	shalt  }
0x57: {  	_ =	shalt  }
0x58: {  	_ =	shalt  }
0x59: {  	_ =	shalt  }
0x5a: {  	_ =	shalt  }
0x5b: {  	_ =	shalt  }
0x5c: {  	_ =	shalt  }
0x5d: {  	_ =	shalt  }
0x5e: {  	_ =	shalt  }
0x5f: {  	_ =	shalt  }
0x60: {  	_ =	shalt  }
0x61: {  	_ =	shalt  }
0x62: {  	_ =	shalt  }
0x63: {  	_ =	shalt  }
0x64: {  	_ =	shalt  }
0x65: {  	_ =	shalt  }
0x66: {  	_ =	shalt  }
0x67: {  	_ =	shalt  }
0x68: {  	_ =	shalt  }
0x69: {  	_ =	shalt  }
0x6a: {  	_ =	shalt  }
0x6b: {  	_ =	shalt  }
0x6c: {  	_ =	shalt  }
0x6d: {  	_ =	shalt  }
0x6e: {  	_ =	shalt  }
0x6f: {  	_ =	shalt  }
0x70: {  	_ =	shalt  }
0x71: {  	_ =	shalt  }
0x72: {  	_ =	shalt  }
0x73: {  	_ =	shalt  }
0x74: {  	_ =	shalt  }
0x75: {  	_ =	shalt  }
0x76: {  	_ =	shalt  }
0x77: {  	_ =	shalt  }
0x78: {  	_ =	shalt  }
0x79: {  	_ =	shalt  }
0x7a: {  	_ =	shalt  }
0x7b: {  	_ =	shalt  }
0x7c: {  	_ =	shalt  }
0x7d: {  	_ =	shalt  }
0x7e: {  	_ =	shalt  }
0x7f: {  	_ =	shalt  }
0x80: {  	_ =	shalt  }
0x81: {  	_ =	shalt  }
0x82: {  	_ =	shalt  }
0x83: {  	_ =	shalt  }
0x84: {  	_ =	shalt  }
0x85: {  	_ =	shalt  }
0x86: {  	_ =	shalt  }
0x87: {  	_ =	shalt  }
.Lfunc_end0:
.L_simem_size_0:
called_computation.1_lowered:
.L_overlay_start_0:
0x88: {  	s2 =	sld [smem:$0x3FD9]  }
0x89: {  	s3 =	sld [smem:$0x3FFE];
	_ =	sdelay $0x1  }
0x8a: {  	s1 =	srdreg.scid  }
0x8b: {  	s0 =	sand.u32 $0x1, s1  }
0x8c: {  	s17 =	sshll.u32 s0, $0xA;
	s2 =	sadd.s32 s3, s2  }
0x8d: {  	s2 =	sadd.s32 s2, s17  }
0x8e: {  	[smem:$0x3FC5] =	sst s2  }
0x8f: {  	_ = 	snop  }
0x90: {  	s2 =	sld [smem:$0x3FD0];
	(tm) =	ssettm $0x1  }
0x91: {  	s18 =	sld [smem:$0x3FFB];
	_ =	sdelay $0x3  }
0x92: {  	_ =	strace s18  }
0x93: {  	s3 =	sld [smem:$0x3FFC];
	_ =	sdelay $0x3  }
0x94: {  	_ =	strace s3  }
0x95: {  	s3 =	sld [smem:$0x3FFD];
	_ =	sdelay $0x3  }
0x96: {  	_ =	strace s3  }
0x97: {  	_ =	strace $0x8FFFFFFF  }
0x98: {  	s19 =	sld [smem:$0x3FDB];
	_ =	sdelay $0x1  }
0x99: {  	s4 =	simm.s32 $_scs_section_size  }
0x9a: {  	s5 =	simm.s32 $_size__tile_overlayer_lowered;
	s6 =	simm.s32 $_tile_overlayer_lowered  }
0x9b: {  	s22 =	simm.s32 $0x1BFF;
	s21 =	sshll.u32 s6, $0x1;
	s3 =	sadd.s32 s4, s19  }
0x9c: {  	s7 =	simm.s32 $0x0;
	s20 =	sshll.u32 s5, $0x1;
	s5 =	sadd.s32 s21, s3  }
0x9d: {  	[timem:s7], [sflag:s22] =	dma.local [hbm:s5], s20  }
0x9e: {  	_ =	swait.ge [sflag:s22], s20  }
0x9f: {  	s4 =	ssub.s32 $0x0, s20;
	[sflag:s22] =	ssyncset.done $0x0  }
0xa0: {  	[sflag:s22] =	ssyncadd.s32 s4;
	_ =	sdelay $0x1  }
0xa1: {  	s23 =	simm.s32 $0x1B8B  }
0xa2: {  	_ =	swait.ge [sflag:s23], $0x1  }
0xa3: {  	[sflag:s23] =	ssyncset.done $0x0  }
0xa4: {  	s25 =	simm.s32 $0x1B8E;
	s24 =	sld [smem:$0x3FFE];
	[sflag:s23] =	ssyncadd.s32 $0xFFFFFFFF  }
0xa5: {  	s26 =	simm.s32 $execute0_lowered;
	[smem:$0x3FD2] =	sst s25  }
0xa6: {  	s5 =	sshll.u32 s26, $0x1;
	_ =	strace $0x80000046;
	[dreg:$0x1] =	wrdreg $0xFFFFFFFF  }
0xa7: {  	s28 =	simm.s32 $_size_execute0_lowered;
	s3 =	sadd.s32 s3, s5;
	[dreg:$0x0] =	wrdreg $0x0  }
0xa8: {  	s5 =	sshll.u32 s28, $0x1;
	[dreg:$0x2] =	wrdreg s3  }
0xa9: {  	[dreg:$0x3] =	wrdreg s5  }
0xaa: {  	[dreg:$0x4] =	wrdreg $0xC0  }
0xab: {  	_ =	task [dreg:s7], $0x5FFFF  }
0xac: {  	[dreg:$0x1] =	wrdreg $0xFFFFFFFF  }
0xad: {  	[dreg:$0x0] =	wrdreg $0x60  }
0xae: {  	[dreg:$0x2] =	wrdreg s24  }
0xaf: {  	[dreg:$0x3] =	wrdreg s2  }
0xb0: {  	[dreg:$0x4] =	wrdreg $0x9  }
0xb1: {  	_ =	task.clear_ibuf [dreg:s7], $0x5FFFF;
	_ =	strace $0x90000046  }
0xb2: {  	s29 =	simm.s32 $0x9;
	_ =	strace $0x80000048  }
0xb3: {  	_ =	swait.ge [sflag:s29], $0x1  }
0xb4: {  	[sflag:s29] =	ssyncadd.s32 $0xFFFFFFFF  }
0xb5: {  	_ =	strace $0x90000048  }
0xb6: {  	_ =	sfence  }
0xb7: {  	s30 =	sld [smem:$0x0];
	_ =	sdelay $0x2  }
0xb8: {  	s31 =	sshll.u32 s1, $0xD;
	s1 =	sshrl.u32 s1, $0x2  }
0xb9: {  	s3 =	sand.u32 $0x4000, s31;
	s1 =	sadd.s32 s1, s30  }
0xba: {  	s0 =	sor.u32 s3, s0;
	s1 =	sshll.u32 s1, $0x11  }
0xbb: {  	s0 =	sor.u32 s1, s0  }
0xbc: {  	s0 =	sadd.s32 $0x8F2B, s0  }
0xbd: {  	[sflag:s0] =	ssyncadd.remote.s32 $0x1  }
0xbe: {  	_ =	sfence.sel $0xFFFF  }
0xbf: {  	[dreg:$0x0] =	wrdreg $0xFFFFFFFF;
	(pc) =	sbr.abs _section_cstart, $3  }
0xc0: {  	[dreg:$0x1] =	wrdreg $0xFFFFFFFF  }
0xc1: {  	_ =	task.clear_ibuf [dreg:s7], $0x2FFFF;
	_ =	strace $0x9FFFFFFF  }
0xc2: {  	(tm) =	ssettm $0x7FFFFFFF  }
0xc3: {  	_ =	shalt  }
tec
execute0_lowered:
.L_overlay_start_1:
0x0: {  	(tag) =	ssettag $0x1  }
0x1: {  	s0 =	srdreg.scid  }
0x2: {  	s2 =	stileid.u32;
	s1 =	rddreg [dreg:$0x0];
	s9 =	simm.s32 $0x9  }
0x3: {  	s11 =	simm.s32 $0x68;
	s12 =	simm.s32 $0x4B00;
	s13 =	simm.s32 $0x60  }
0x4: {  	s16 =	simm.s32 $0x7D00;
	s20 =	simm.s32 $0xAF00;
	s22 =	simm.s32 $0xC900  }
0x5: {  	s23 =	simm.s32 $0x1;
	s24 =	simm.s32 $0xE100;
	s25 =	simm.s32 $0xFB00  }
0x6: {  	s26 =	simm.s32 $0x2;
	s28 =	simm.s32 $0x3;
	s29 =	simm.s32 $0x4  }
0x7: {  	s30 =	simm.s32 $0x5;
	s31 =	simm.s32 $0x6;
	s0 =	sand.u32 $0x1, s0  }
0x8: {  	s10 =	simm.s32 $0x0;
	s3 =	sshll.u32 s2, $0x6;
	s4 =	sshll.u32 s0, $0x5  }
0x9: {  	s2 =	rddreg [dreg:$0x1];
	s0 =	ssub.s32 $0x2, s0;
	s3 =	sor.u32 s4, s3  }
.Ltmp0:
0xa: {  	s4 =	simm.s32 $0x0;
	s7 =	sshrl.u32 s0, $0x1;
	(pc) =	sbr.rel .LBB2_1-.Ltmp0, $4  }
0xb: {  	s5 =	smul.u32 $0x19, s3;
	[smem:$0x7FF] =	sst s4;
	s0 =	ssub.s32 s0, s7  }
0xc: {  	_ =	strace $0x80000047;
	s8 =	smax.u32 s0, $0x1;
	s0 =	simm.s32 $0x8  }
0xd: {  	s6 =	sadd.s32 s5, s1;
	s5 =	sadd.s32 $0xF43000, s1;
	s1 =	sadd.s32 $0x7000, s1  }
0xe: {  	[dreg:$0x3] =	wrdreg s1;
	s7 =	sadd.s32 $0xC00, s6;
	s1 =	simm.s32 $0x7  }
.LBB2_12:
0xf: {  	_ =	swait.ge [sflag:s30], $0x3200  }
0x10: {  	[sflag:s30] =	ssyncset.done $0x0  }
0x11: {  	[sflag:s30] =	ssyncadd.s32 $0xFFFFCE00  }
0x12: {  	_ =	swait.ge [sflag:s31], $0x3200  }
0x13: {  	[sflag:s31] =	ssyncset.done $0x0  }
0x14: {  	s10 =	sadd.s32 $0x1, s10;
	[sflag:s31] =	ssyncadd.s32 $0xFFFFCE00  }
0x15: {  	p0 =	sne.s32 s10, s8;
	_ =	swait.ge [sflag:s1], $0x3200  }
.Ltmp1:
0x16: {  	[sflag:s1] =	ssyncset.done $0x0;
	(pc) =	sbr.rel @!p0 .LBB2_13-.Ltmp1, $4  }
0x17: {  	[sflag:s1] =	ssyncadd.s32 $0xFFFFCE00  }
0x18: {  	_ =	swait.ge [sflag:s0], $0x3200  }
0x19: {  	[sflag:s0] =	ssyncset.done $0x0  }
0x1a: {  	[sflag:s0] =	ssyncadd.s32 $0xFFFFCE00  }
.LBB2_1:
0x1b: {  	[tilespmem:s4], [sflag:$0x9] =	stream.linear.gather [hbm4b:s7+s4], $0x1900, $0x38;
	[tilespmem:$0x11300] =	vst v63  }
0x1c: {  	_ =	swait.ge [sflag:s9], $0x1900  }
0x1d: {  	[sflag:s9] =	ssyncset.done $0x0  }
0x1e: {  	s14 =	simm.s32 $0x1900;
	s6 =	rddreg [dreg:$0x3];
	[sflag:s9] =	ssyncadd.s32 $0xFFFFE700  }
0x1f: {  	[tilespmem:s14], [sflag:$0x9] =	stream.linear.gather [hbm4b:s6+s4], $0x3200, $0x38;
	[tilespmem:$0x11300] =	vst v63  }
0x20: {  	_ =	swait.ge [sflag:s9], $0x3200  }
0x21: {  	[sflag:s9] =	ssyncset.done $0x0  }
0x22: {  	[sflag:s9] =	ssyncadd.s32 $0xFFFFCE00  }
0x23: {  	[tilespmem:s12], [sflag:$0x1] =	stream.indirect.gather [hbm4b:s5+s11], $0x40, s4, s11, $0xb8;
	[tilespmem:$0x11300] =	vst v63  }
0x24: {  	s14 =	simm.s32 $0x6500  }
0x25: {  	[tilespmem:s14], [sflag:$0x1] =	stream.indirect.gather [hbm4b:s5+s13], $0x40, s11, s13, $0xb8;
	[tilespmem:$0x11300] =	vst v63  }
0x26: {  	s15 =	simm.s32 $0xC8  }
0x27: {  	[tilespmem:s16], [sflag:$0x2] =	stream.indirect.gather [hbm4b:s5+s11], $0x40, s15, s11, $0xb8;
	[tilespmem:$0x11300] =	vst v63  }
0x28: {  	s17 =	simm.s32 $0x130;
	s18 =	simm.s32 $0x9700  }
0x29: {  	[tilespmem:s18], [sflag:$0x2] =	stream.indirect.gather [hbm4b:s5+s13], $0x40, s17, s13, $0xb8;
	[tilespmem:$0x11300] =	vst v63  }
0x2a: {  	s19 =	simm.s32 $0x190  }
0x2b: {  	[tilespmem:s20], [sflag:$0x3] =	stream.indirect.gather [hbm4b:s5+s11], $0x40, s19, s11, $0xb8;
	[tilespmem:$0x11300] =	vst v63  }
0x2c: {  	s21 =	simm.s32 $0x1F8;
	s14 =	simm.s32 $0x0  }
0x2d: {  	[tilespmem:s22], [sflag:$0x3] =	stream.indirect.gather [hbm4b:s5+s13], $0x40, s21, s13, $0xb8;
	[tilespmem:$0x11300] =	vst v63  }
.LBB2_2:
0x2e: {  	_ =	swait.ge [sflag:s23], $0x1A00  }
0x2f: {  	[sflag:s23] =	ssyncset.done $0x0  }
0x30: {  	[sflag:s23] =	ssyncadd.s32 $0xFFFFE600  }
0x31: {  	_ =	swait.ge [sflag:s23], $0x1800  }
0x32: {  	[sflag:s23] =	ssyncset.done $0x0  }
0x33: {  	s15 =	simm.s32 $0x0;
	[sflag:s23] =	ssyncadd.s32 $0xFFFFE800  }
0x34: {  	v0 =	vld [tilespmem:s15+$0x19F0]  }
0x35: {  	v1 =	vld [tilespmem:s15+$0x1900]  }
0x36: {  	v2 =	vld [tilespmem:s15+$0x1910]  }
0x37: {  	v3 =	vld [tilespmem:s15+$0x1920]  }
0x38: {  	v4 =	vld [tilespmem:s15+$0x1930]  }
0x39: {  	v5 =	vld [tilespmem:s15+$0x1940]  }
0x3a: {  	v6 =	vld [tilespmem:s15+$0x1950]  }
0x3b: {  	v7 =	vld [tilespmem:s15+$0x1960]  }
0x3c: {  	v8 =	vld [tilespmem:s15+$0x1970]  }
0x3d: {  	v9 =	vld [tilespmem:s15+$0x1980]  }
0x3e: {  	v10 =	vld [tilespmem:s15+$0x1990]  }
0x3f: {  	v11 =	vld [tilespmem:s15+$0x19A0]  }
0x40: {  	v12 =	vld [tilespmem:s15+$0x19B0]  }
0x41: {  	v13 =	vld [tilespmem:s15+$0x19C0]  }
0x42: {  	v14 =	vld [tilespmem:s15+$0x19D0]  }
0x43: {  	[tilespmem:s15+$0x4BF0] =	vst.add.f32.msk $0xffff, v0  }
0x44: {  	v0 =	vld [tilespmem:s15+$0x19E0]  }
0x45: {  	[tilespmem:s15+$0x4B00] =	vst.add.f32.msk $0xffff, v1  }
0x46: {  	[tilespmem:s15+$0x4B10] =	vst.add.f32.msk $0xffff, v2  }
0x47: {  	[tilespmem:s15+$0x4B20] =	vst.add.f32.msk $0xffff, v3  }
0x48: {  	[tilespmem:s15+$0x4B30] =	vst.add.f32.msk $0xffff, v4  }
0x49: {  	[tilespmem:s15+$0x4B40] =	vst.add.f32.msk $0xffff, v5  }
0x4a: {  	[tilespmem:s15+$0x4B50] =	vst.add.f32.msk $0xffff, v6  }
0x4b: {  	[tilespmem:s15+$0x4B60] =	vst.add.f32.msk $0xffff, v7  }
0x4c: {  	[tilespmem:s15+$0x4B70] =	vst.add.f32.msk $0xffff, v8  }
0x4d: {  	[tilespmem:s15+$0x4B80] =	vst.add.f32.msk $0xffff, v9  }
0x4e: {  	[tilespmem:s15+$0x4B90] =	vst.add.f32.msk $0xffff, v10  }
0x4f: {  	[tilespmem:s15+$0x4BA0] =	vst.add.f32.msk $0xffff, v11  }
0x50: {  	[tilespmem:s15+$0x4BB0] =	vst.add.f32.msk $0xffff, v12  }
0x51: {  	[tilespmem:s15+$0x4BC0] =	vst.add.f32.msk $0xffff, v13  }
0x52: {  	s17 =	simm.s32 $0x0;
	s18 =	simm.s32 $0x400;
	[tilespmem:s15+$0x4BD0] =	vst.add.f32.msk $0xffff, v14  }
.LBB2_3:
0x53: {  	s17 =	sadd.s32 $0x4, s17;
	[tilespmem:s15+$0x4BE0] =	vst.add.f32.msk $0xffff, v0;
	s15 =	sshra.s32 s18, $0x2  }
0x54: {  	v0 =	vld [tilespmem:s15+$0x19F0];
	p0 =	slt.u32 s17, $0xC4  }
0x55: {  	v1 =	vld [tilespmem:s15+$0x1900]  }
0x56: {  	v2 =	vld [tilespmem:s15+$0x1910]  }
0x57: {  	v3 =	vld [tilespmem:s15+$0x1920]  }
0x58: {  	v4 =	vld [tilespmem:s15+$0x1930]  }
0x59: {  	[tilespmem:s15+$0x4BF0] =	vst.add.f32.msk $0xffff, v0  }
0x5a: {  	v5 =	vld [tilespmem:s15+$0x1940]  }
0x5b: {  	v6 =	vld [tilespmem:s15+$0x1950]  }
0x5c: {  	v7 =	vld [tilespmem:s15+$0x1960]  }
0x5d: {  	v8 =	vld [tilespmem:s15+$0x1970]  }
0x5e: {  	v9 =	vld [tilespmem:s15+$0x1980]  }
0x5f: {  	v10 =	vld [tilespmem:s15+$0x1990]  }
0x60: {  	v11 =	vld [tilespmem:s15+$0x19A0]  }
0x61: {  	v12 =	vld [tilespmem:s15+$0x19B0]  }
0x62: {  	v13 =	vld [tilespmem:s15+$0x19C0]  }
0x63: {  	v14 =	vld [tilespmem:s15+$0x19D0]  }
0x64: {  	v0 =	vld [tilespmem:s15+$0x19E0]  }
0x65: {  	[tilespmem:s15+$0x4B00] =	vst.add.f32.msk $0xffff, v1  }
0x66: {  	[tilespmem:s15+$0x4B10] =	vst.add.f32.msk $0xffff, v2  }
0x67: {  	[tilespmem:s15+$0x4B20] =	vst.add.f32.msk $0xffff, v3  }
0x68: {  	[tilespmem:s15+$0x4B30] =	vst.add.f32.msk $0xffff, v4  }
0x69: {  	[tilespmem:s15+$0x4B40] =	vst.add.f32.msk $0xffff, v5  }
0x6a: {  	[tilespmem:s15+$0x4B50] =	vst.add.f32.msk $0xffff, v6  }
0x6b: {  	[tilespmem:s15+$0x4B60] =	vst.add.f32.msk $0xffff, v7  }
0x6c: {  	[tilespmem:s15+$0x4B70] =	vst.add.f32.msk $0xffff, v8  }
0x6d: {  	[tilespmem:s15+$0x4B80] =	vst.add.f32.msk $0xffff, v9  }
.Ltmp2:
0x6e: {  	[tilespmem:s15+$0x4B90] =	vst.add.f32.msk $0xffff, v10;
	(pc) =	sbr.rel @p0 .LBB2_3-.Ltmp2, $4  }
0x6f: {  	[tilespmem:s15+$0x4BA0] =	vst.add.f32.msk $0xffff, v11  }
0x70: {  	[tilespmem:s15+$0x4BB0] =	vst.add.f32.msk $0xffff, v12  }
0x71: {  	[tilespmem:s15+$0x4BC0] =	vst.add.f32.msk $0xffff, v13  }
0x72: {  	s18 =	sadd.s32 $0x400, s18;
	[tilespmem:s15+$0x4BD0] =	vst.add.f32.msk $0xffff, v14  }
0x73: {  	s17 =	sshll.u32 s14, $0x2  }
0x74: {  	s6 =	sadd.s32 s3, s17  }
0x75: {  	s6 =	smul.u32 $0x640, s6;
	_ =	sdelay $0x1  }
0x76: {  	[tilespmem:s15+$0x4BE0] =	vst.add.f32.msk $0xffff, v0;
	p0 =	seq.s32 s14, $0x0;
	s6 =	sadd.s32 s2, s6  }
0x77: {  	[hbm4b:s6+s4] =	stream.linear.scatter [tilespmem:s12], [sflag:$0x5], $0x3200, $0x38;
	[tilespmem:$0x11300] =	vst v63  }
0x78: {  	s15 =	sshllo.u32 s14, $0x2;
	s6 =	simm.s32 @!p0 $0x8  }
0x79: {  	s18 =	smul.u32 $0x320, s15;
	_ =	swait.ge @!p0 [sflag:s6], $0x3200  }
0x7a: {  	[sflag:s6] =	ssyncset.done @!p0 $0x0  }
0x7b: {  	s21 =	sshra.s32 s18, $0x2;
	[sflag:s6] =	ssyncadd.s32 @!p0 $0xFFFFCE00  }
0x7c: {  	[tilespmem:s24], [sflag:$0x4] =	stream.indirect.gather [hbm4b:s5+s11], $0x40, s21, s11, $0xb8;
	[tilespmem:$0x11300] =	vst v63  }
0x7d: {  	s6 =	sadd.s32 $0x68, s21  }
0x7e: {  	[tilespmem:s25], [sflag:$0x4] =	stream.indirect.gather [hbm4b:s5+s13], $0x40, s6, s13, $0xb8;
	[tilespmem:$0x11300] =	vst v63  }
0x7f: {  	_ =	swait.ge [sflag:s26], $0x1A00  }
0x80: {  	[sflag:s26] =	ssyncset.done $0x0  }
0x81: {  	[sflag:s26] =	ssyncadd.s32 $0xFFFFE600  }
0x82: {  	_ =	swait.ge [sflag:s26], $0x1800  }
0x83: {  	[sflag:s26] =	ssyncset.done $0x0  }
0x84: {  	s18 =	simm.s32 $0x0;
	[sflag:s26] =	ssyncadd.s32 $0xFFFFE800  }
0x85: {  	v0 =	vld [tilespmem:s18+$0x19F0]  }
0x86: {  	v1 =	vld [tilespmem:s18+$0x1900]  }
0x87: {  	v2 =	vld [tilespmem:s18+$0x1910]  }
0x88: {  	v3 =	vld [tilespmem:s18+$0x1920]  }
0x89: {  	v4 =	vld [tilespmem:s18+$0x1930]  }
0x8a: {  	v5 =	vld [tilespmem:s18+$0x1940]  }
0x8b: {  	v6 =	vld [tilespmem:s18+$0x1950]  }
0x8c: {  	v7 =	vld [tilespmem:s18+$0x1960]  }
0x8d: {  	v8 =	vld [tilespmem:s18+$0x1970]  }
0x8e: {  	v9 =	vld [tilespmem:s18+$0x1980]  }
0x8f: {  	v10 =	vld [tilespmem:s18+$0x1990]  }
0x90: {  	v11 =	vld [tilespmem:s18+$0x19A0]  }
0x91: {  	v12 =	vld [tilespmem:s18+$0x19B0]  }
0x92: {  	v13 =	vld [tilespmem:s18+$0x19C0]  }
0x93: {  	v14 =	vld [tilespmem:s18+$0x19D0]  }
0x94: {  	[tilespmem:s18+$0x7DF0] =	vst.add.f32.msk $0xffff, v0  }
0x95: {  	v0 =	vld [tilespmem:s18+$0x19E0]  }
0x96: {  	[tilespmem:s18+$0x7D00] =	vst.add.f32.msk $0xffff, v1  }
0x97: {  	[tilespmem:s18+$0x7D10] =	vst.add.f32.msk $0xffff, v2  }
0x98: {  	[tilespmem:s18+$0x7D20] =	vst.add.f32.msk $0xffff, v3  }
0x99: {  	[tilespmem:s18+$0x7D30] =	vst.add.f32.msk $0xffff, v4  }
0x9a: {  	[tilespmem:s18+$0x7D40] =	vst.add.f32.msk $0xffff, v5  }
0x9b: {  	[tilespmem:s18+$0x7D50] =	vst.add.f32.msk $0xffff, v6  }
0x9c: {  	[tilespmem:s18+$0x7D60] =	vst.add.f32.msk $0xffff, v7  }
0x9d: {  	[tilespmem:s18+$0x7D70] =	vst.add.f32.msk $0xffff, v8  }
0x9e: {  	[tilespmem:s18+$0x7D80] =	vst.add.f32.msk $0xffff, v9  }
0x9f: {  	[tilespmem:s18+$0x7D90] =	vst.add.f32.msk $0xffff, v10  }
0xa0: {  	[tilespmem:s18+$0x7DA0] =	vst.add.f32.msk $0xffff, v11  }
0xa1: {  	[tilespmem:s18+$0x7DB0] =	vst.add.f32.msk $0xffff, v12  }
0xa2: {  	[tilespmem:s18+$0x7DC0] =	vst.add.f32.msk $0xffff, v13  }
0xa3: {  	s19 =	simm.s32 $0x0;
	s21 =	simm.s32 $0x400;
	[tilespmem:s18+$0x7DD0] =	vst.add.f32.msk $0xffff, v14  }
.LBB2_5:
0xa4: {  	s19 =	sadd.s32 $0x4, s19;
	[tilespmem:s18+$0x7DE0] =	vst.add.f32.msk $0xffff, v0;
	s18 =	sshra.s32 s21, $0x2  }
0xa5: {  	v0 =	vld [tilespmem:s18+$0x19F0];
	p0 =	slt.u32 s19, $0xC4  }
0xa6: {  	v1 =	vld [tilespmem:s18+$0x1900]  }
0xa7: {  	v2 =	vld [tilespmem:s18+$0x1910]  }
0xa8: {  	v3 =	vld [tilespmem:s18+$0x1920]  }
0xa9: {  	v4 =	vld [tilespmem:s18+$0x1930]  }
0xaa: {  	[tilespmem:s18+$0x7DF0] =	vst.add.f32.msk $0xffff, v0  }
0xab: {  	v5 =	vld [tilespmem:s18+$0x1940]  }
0xac: {  	v6 =	vld [tilespmem:s18+$0x1950]  }
0xad: {  	v7 =	vld [tilespmem:s18+$0x1960]  }
0xae: {  	v8 =	vld [tilespmem:s18+$0x1970]  }
0xaf: {  	v9 =	vld [tilespmem:s18+$0x1980]  }
0xb0: {  	v10 =	vld [tilespmem:s18+$0x1990]  }
0xb1: {  	v11 =	vld [tilespmem:s18+$0x19A0]  }
0xb2: {  	v12 =	vld [tilespmem:s18+$0x19B0]  }
0xb3: {  	v13 =	vld [tilespmem:s18+$0x19C0]  }
0xb4: {  	v14 =	vld [tilespmem:s18+$0x19D0]  }
0xb5: {  	v0 =	vld [tilespmem:s18+$0x19E0]  }
0xb6: {  	[tilespmem:s18+$0x7D00] =	vst.add.f32.msk $0xffff, v1  }
0xb7: {  	[tilespmem:s18+$0x7D10] =	vst.add.f32.msk $0xffff, v2  }
0xb8: {  	[tilespmem:s18+$0x7D20] =	vst.add.f32.msk $0xffff, v3  }
0xb9: {  	[tilespmem:s18+$0x7D30] =	vst.add.f32.msk $0xffff, v4  }
0xba: {  	[tilespmem:s18+$0x7D40] =	vst.add.f32.msk $0xffff, v5  }
0xbb: {  	[tilespmem:s18+$0x7D50] =	vst.add.f32.msk $0xffff, v6  }
0xbc: {  	[tilespmem:s18+$0x7D60] =	vst.add.f32.msk $0xffff, v7  }
0xbd: {  	[tilespmem:s18+$0x7D70] =	vst.add.f32.msk $0xffff, v8  }
0xbe: {  	[tilespmem:s18+$0x7D80] =	vst.add.f32.msk $0xffff, v9  }
.Ltmp3:
0xbf: {  	[tilespmem:s18+$0x7D90] =	vst.add.f32.msk $0xffff, v10;
	(pc) =	sbr.rel @p0 .LBB2_5-.Ltmp3, $4  }
0xc0: {  	[tilespmem:s18+$0x7DA0] =	vst.add.f32.msk $0xffff, v11  }
0xc1: {  	[tilespmem:s18+$0x7DB0] =	vst.add.f32.msk $0xffff, v12  }
0xc2: {  	[tilespmem:s18+$0x7DC0] =	vst.add.f32.msk $0xffff, v13  }
0xc3: {  	s21 =	sadd.s32 $0x400, s21;
	[tilespmem:s18+$0x7DD0] =	vst.add.f32.msk $0xffff, v14  }
0xc4: {  	s6 =	sadd.s32 s17, s3  }
0xc5: {  	s6 =	smul.u32 $0x640, s6;
	_ =	sdelay $0x1  }
0xc6: {  	s17 =	sadd.s32 s2, s6  }
0xc7: {  	[tilespmem:s18+$0x7DE0] =	vst.add.f32.msk $0xffff, v0;
	p0 =	seq.s32 s14, $0x7;
	s6 =	sadd.s32 $0x640, s17  }
0xc8: {  	[hbm4b:s6+s4] =	stream.linear.scatter [tilespmem:s16], [sflag:$0x6], $0x3200, $0x38;
	[tilespmem:$0x11300] =	vst v63  }
0xc9: {  	s18 =	smul.u32 @!p0 $0xC80, s14;
	s6 =	simm.s32 @!p0 $0x5  }
0xca: {  	_ =	swait.ge @!p0 [sflag:s6], $0x3200  }
0xcb: {  	s19 =	simm.s32 @!p0 $0x68;
	s18 =	sshra.s32 @!p0 s18, $0x2;
	[sflag:s6] =	ssyncset.done @!p0 $0x0  }
0xcc: {  	s21 =	simm.s32 @!p0 $0x4B00;
	[sflag:s6] =	ssyncadd.s32 @!p0 $0xFFFFCE00;
	s6 =	sadd.s32 @!p0 $0x320, s18  }
0xcd: {  	[tilespmem:s21], [sflag:$0x1] =	stream.indirect.gather @!p0 [hbm4b:s5+s19], $0x40, s6, s19, $0xb8;
	[tilespmem:$0x11300] =	vst v63  }
0xce: {  	s6 =	sadd.s32 @!p0 $0x388, s18;
	s19 =	simm.s32 @!p0 $0x60;
	s21 =	simm.s32 @!p0 $0x6500  }
0xcf: {  	[tilespmem:s21], [sflag:$0x1] =	stream.indirect.gather @!p0 [hbm4b:s5+s19], $0x40, s6, s19, $0xb8;
	[tilespmem:$0x11300] =	vst v63  }
0xd0: {  	_ =	swait.ge [sflag:s28], $0x1A00  }
0xd1: {  	[sflag:s28] =	ssyncset.done $0x0  }
0xd2: {  	[sflag:s28] =	ssyncadd.s32 $0xFFFFE600  }
0xd3: {  	_ =	swait.ge [sflag:s28], $0x1800  }
0xd4: {  	[sflag:s28] =	ssyncset.done $0x0  }
0xd5: {  	s19 =	simm.s32 $0x0;
	[sflag:s28] =	ssyncadd.s32 $0xFFFFE800  }
0xd6: {  	v0 =	vld [tilespmem:s19+$0x19F0]  }
0xd7: {  	v1 =	vld [tilespmem:s19+$0x1900]  }
0xd8: {  	v2 =	vld [tilespmem:s19+$0x1910]  }
0xd9: {  	v3 =	vld [tilespmem:s19+$0x1920]  }
0xda: {  	v4 =	vld [tilespmem:s19+$0x1930]  }
0xdb: {  	v5 =	vld [tilespmem:s19+$0x1940]  }
0xdc: {  	v6 =	vld [tilespmem:s19+$0x1950]  }
0xdd: {  	v7 =	vld [tilespmem:s19+$0x1960]  }
0xde: {  	v8 =	vld [tilespmem:s19+$0x1970]  }
0xdf: {  	v9 =	vld [tilespmem:s19+$0x1980]  }
0xe0: {  	v10 =	vld [tilespmem:s19+$0x1990]  }
0xe1: {  	v11 =	vld [tilespmem:s19+$0x19A0]  }
0xe2: {  	v12 =	vld [tilespmem:s19+$0x19B0]  }
0xe3: {  	v13 =	vld [tilespmem:s19+$0x19C0]  }
0xe4: {  	v14 =	vld [tilespmem:s19+$0x19D0]  }
0xe5: {  	[tilespmem:s19+$0xAFF0] =	vst.add.f32.msk $0xffff, v0  }
0xe6: {  	v0 =	vld [tilespmem:s19+$0x19E0]  }
0xe7: {  	[tilespmem:s19+$0xAF00] =	vst.add.f32.msk $0xffff, v1  }
0xe8: {  	[tilespmem:s19+$0xAF10] =	vst.add.f32.msk $0xffff, v2  }
0xe9: {  	[tilespmem:s19+$0xAF20] =	vst.add.f32.msk $0xffff, v3  }
0xea: {  	[tilespmem:s19+$0xAF30] =	vst.add.f32.msk $0xffff, v4  }
0xeb: {  	[tilespmem:s19+$0xAF40] =	vst.add.f32.msk $0xffff, v5  }
0xec: {  	[tilespmem:s19+$0xAF50] =	vst.add.f32.msk $0xffff, v6  }
0xed: {  	[tilespmem:s19+$0xAF60] =	vst.add.f32.msk $0xffff, v7  }
0xee: {  	[tilespmem:s19+$0xAF70] =	vst.add.f32.msk $0xffff, v8  }
0xef: {  	[tilespmem:s19+$0xAF80] =	vst.add.f32.msk $0xffff, v9  }
0xf0: {  	[tilespmem:s19+$0xAF90] =	vst.add.f32.msk $0xffff, v10  }
0xf1: {  	[tilespmem:s19+$0xAFA0] =	vst.add.f32.msk $0xffff, v11  }
0xf2: {  	[tilespmem:s19+$0xAFB0] =	vst.add.f32.msk $0xffff, v12  }
0xf3: {  	[tilespmem:s19+$0xAFC0] =	vst.add.f32.msk $0xffff, v13  }
0xf4: {  	s21 =	simm.s32 $0x0;
	s6 =	simm.s32 $0x400;
	[tilespmem:s19+$0xAFD0] =	vst.add.f32.msk $0xffff, v14  }
.LBB2_7:
0xf5: {  	s21 =	sadd.s32 $0x4, s21;
	[tilespmem:s19+$0xAFE0] =	vst.add.f32.msk $0xffff, v0;
	s19 =	sshra.s32 s6, $0x2  }
0xf6: {  	v0 =	vld [tilespmem:s19+$0x19F0];
	p1 =	slt.u32 s21, $0xC4  }
0xf7: {  	v1 =	vld [tilespmem:s19+$0x1900]  }
0xf8: {  	v2 =	vld [tilespmem:s19+$0x1910]  }
0xf9: {  	v3 =	vld [tilespmem:s19+$0x1920]  }
0xfa: {  	v4 =	vld [tilespmem:s19+$0x1930]  }
0xfb: {  	[tilespmem:s19+$0xAFF0] =	vst.add.f32.msk $0xffff, v0  }
0xfc: {  	v5 =	vld [tilespmem:s19+$0x1940]  }
0xfd: {  	v6 =	vld [tilespmem:s19+$0x1950]  }
0xfe: {  	v7 =	vld [tilespmem:s19+$0x1960]  }
0xff: {  	v8 =	vld [tilespmem:s19+$0x1970]  }
0x100: {  	v9 =	vld [tilespmem:s19+$0x1980]  }
0x101: {  	v10 =	vld [tilespmem:s19+$0x1990]  }
0x102: {  	v11 =	vld [tilespmem:s19+$0x19A0]  }
0x103: {  	v12 =	vld [tilespmem:s19+$0x19B0]  }
0x104: {  	v13 =	vld [tilespmem:s19+$0x19C0]  }
0x105: {  	v14 =	vld [tilespmem:s19+$0x19D0]  }
0x106: {  	v0 =	vld [tilespmem:s19+$0x19E0]  }
0x107: {  	[tilespmem:s19+$0xAF00] =	vst.add.f32.msk $0xffff, v1  }
0x108: {  	[tilespmem:s19+$0xAF10] =	vst.add.f32.msk $0xffff, v2  }
0x109: {  	[tilespmem:s19+$0xAF20] =	vst.add.f32.msk $0xffff, v3  }
0x10a: {  	[tilespmem:s19+$0xAF30] =	vst.add.f32.msk $0xffff, v4  }
0x10b: {  	[tilespmem:s19+$0xAF40] =	vst.add.f32.msk $0xffff, v5  }
0x10c: {  	[tilespmem:s19+$0xAF50] =	vst.add.f32.msk $0xffff, v6  }
0x10d: {  	[tilespmem:s19+$0xAF60] =	vst.add.f32.msk $0xffff, v7  }
0x10e: {  	[tilespmem:s19+$0xAF70] =	vst.add.f32.msk $0xffff, v8  }
0x10f: {  	[tilespmem:s19+$0xAF80] =	vst.add.f32.msk $0xffff, v9  }
.Ltmp4:
0x110: {  	[tilespmem:s19+$0xAF90] =	vst.add.f32.msk $0xffff, v10;
	(pc) =	sbr.rel @p1 .LBB2_7-.Ltmp4, $4  }
0x111: {  	[tilespmem:s19+$0xAFA0] =	vst.add.f32.msk $0xffff, v11  }
0x112: {  	[tilespmem:s19+$0xAFB0] =	vst.add.f32.msk $0xffff, v12  }
0x113: {  	[tilespmem:s19+$0xAFC0] =	vst.add.f32.msk $0xffff, v13  }
0x114: {  	s6 =	sadd.s32 $0x400, s6;
	[tilespmem:s19+$0xAFD0] =	vst.add.f32.msk $0xffff, v14  }
0x115: {  	[tilespmem:s19+$0xAFE0] =	vst.add.f32.msk $0xffff, v0;
	s6 =	sadd.s32 $0xC80, s17  }
0x116: {  	[hbm4b:s6+s4] =	stream.linear.scatter [tilespmem:s20], [sflag:$0x7], $0x3200, $0x38;
	[tilespmem:$0x11300] =	vst v63  }
0x117: {  	s6 =	simm.s32 @!p0 $0x6  }
0x118: {  	_ =	swait.ge @!p0 [sflag:s6], $0x3200  }
0x119: {  	s17 =	simm.s32 @!p0 $0x68;
	[sflag:s6] =	ssyncset.done @!p0 $0x0  }
0x11a: {  	s19 =	simm.s32 @!p0 $0x7D00;
	[sflag:s6] =	ssyncadd.s32 @!p0 $0xFFFFCE00;
	s6 =	sadd.s32 @!p0 $0x3E8, s18  }
0x11b: {  	[tilespmem:s19], [sflag:$0x2] =	stream.indirect.gather @!p0 [hbm4b:s5+s17], $0x40, s6, s17, $0xb8;
	[tilespmem:$0x11300] =	vst v63  }
0x11c: {  	s6 =	sadd.s32 @!p0 $0x450, s18;
	s17 =	simm.s32 @!p0 $0x60;
	s18 =	simm.s32 @!p0 $0x9700  }
0x11d: {  	[tilespmem:s18], [sflag:$0x2] =	stream.indirect.gather @!p0 [hbm4b:s5+s17], $0x40, s6, s17, $0xb8;
	[tilespmem:$0x11300] =	vst v63  }
0x11e: {  	_ =	swait.ge [sflag:s29], $0x1A00  }
0x11f: {  	[sflag:s29] =	ssyncset.done $0x0  }
0x120: {  	[sflag:s29] =	ssyncadd.s32 $0xFFFFE600  }
0x121: {  	_ =	swait.ge [sflag:s29], $0x1800  }
0x122: {  	[sflag:s29] =	ssyncset.done $0x0  }
0x123: {  	s17 =	simm.s32 $0x0;
	[sflag:s29] =	ssyncadd.s32 $0xFFFFE800  }
0x124: {  	v0 =	vld [tilespmem:s17+$0x19F0]  }
0x125: {  	v1 =	vld [tilespmem:s17+$0x1900]  }
0x126: {  	v2 =	vld [tilespmem:s17+$0x1910]  }
0x127: {  	v3 =	vld [tilespmem:s17+$0x1920]  }
0x128: {  	v4 =	vld [tilespmem:s17+$0x1930]  }
0x129: {  	v5 =	vld [tilespmem:s17+$0x1940]  }
0x12a: {  	v6 =	vld [tilespmem:s17+$0x1950]  }
0x12b: {  	v7 =	vld [tilespmem:s17+$0x1960]  }
0x12c: {  	v8 =	vld [tilespmem:s17+$0x1970]  }
0x12d: {  	v9 =	vld [tilespmem:s17+$0x1980]  }
0x12e: {  	v10 =	vld [tilespmem:s17+$0x1990]  }
0x12f: {  	v11 =	vld [tilespmem:s17+$0x19A0]  }
0x130: {  	v12 =	vld [tilespmem:s17+$0x19B0]  }
0x131: {  	v13 =	vld [tilespmem:s17+$0x19C0]  }
0x132: {  	v14 =	vld [tilespmem:s17+$0x19D0]  }
0x133: {  	[tilespmem:s17+$0xE1F0] =	vst.add.f32.msk $0xffff, v0  }
0x134: {  	v0 =	vld [tilespmem:s17+$0x19E0]  }
0x135: {  	[tilespmem:s17+$0xE100] =	vst.add.f32.msk $0xffff, v1  }
0x136: {  	[tilespmem:s17+$0xE110] =	vst.add.f32.msk $0xffff, v2  }
0x137: {  	[tilespmem:s17+$0xE120] =	vst.add.f32.msk $0xffff, v3  }
0x138: {  	[tilespmem:s17+$0xE130] =	vst.add.f32.msk $0xffff, v4  }
0x139: {  	[tilespmem:s17+$0xE140] =	vst.add.f32.msk $0xffff, v5  }
0x13a: {  	[tilespmem:s17+$0xE150] =	vst.add.f32.msk $0xffff, v6  }
0x13b: {  	[tilespmem:s17+$0xE160] =	vst.add.f32.msk $0xffff, v7  }
0x13c: {  	[tilespmem:s17+$0xE170] =	vst.add.f32.msk $0xffff, v8  }
0x13d: {  	[tilespmem:s17+$0xE180] =	vst.add.f32.msk $0xffff, v9  }
0x13e: {  	[tilespmem:s17+$0xE190] =	vst.add.f32.msk $0xffff, v10  }
0x13f: {  	[tilespmem:s17+$0xE1A0] =	vst.add.f32.msk $0xffff, v11  }
0x140: {  	[tilespmem:s17+$0xE1B0] =	vst.add.f32.msk $0xffff, v12  }
0x141: {  	[tilespmem:s17+$0xE1C0] =	vst.add.f32.msk $0xffff, v13  }
0x142: {  	s18 =	simm.s32 $0x0;
	s6 =	simm.s32 $0x400;
	[tilespmem:s17+$0xE1D0] =	vst.add.f32.msk $0xffff, v14  }
.LBB2_9:
0x143: {  	s18 =	sadd.s32 $0x4, s18;
	[tilespmem:s17+$0xE1E0] =	vst.add.f32.msk $0xffff, v0;
	s17 =	sshra.s32 s6, $0x2  }
0x144: {  	v0 =	vld [tilespmem:s17+$0x19F0];
	p1 =	slt.u32 s18, $0xC4  }
0x145: {  	v1 =	vld [tilespmem:s17+$0x1900]  }
0x146: {  	v2 =	vld [tilespmem:s17+$0x1910]  }
0x147: {  	v3 =	vld [tilespmem:s17+$0x1920]  }
0x148: {  	v4 =	vld [tilespmem:s17+$0x1930]  }
0x149: {  	[tilespmem:s17+$0xE1F0] =	vst.add.f32.msk $0xffff, v0  }
0x14a: {  	v5 =	vld [tilespmem:s17+$0x1940]  }
0x14b: {  	v6 =	vld [tilespmem:s17+$0x1950]  }
0x14c: {  	v7 =	vld [tilespmem:s17+$0x1960]  }
0x14d: {  	v8 =	vld [tilespmem:s17+$0x1970]  }
0x14e: {  	v9 =	vld [tilespmem:s17+$0x1980]  }
0x14f: {  	v10 =	vld [tilespmem:s17+$0x1990]  }
0x150: {  	v11 =	vld [tilespmem:s17+$0x19A0]  }
0x151: {  	v12 =	vld [tilespmem:s17+$0x19B0]  }
0x152: {  	v13 =	vld [tilespmem:s17+$0x19C0]  }
0x153: {  	v14 =	vld [tilespmem:s17+$0x19D0]  }
0x154: {  	v0 =	vld [tilespmem:s17+$0x19E0]  }
0x155: {  	[tilespmem:s17+$0xE100] =	vst.add.f32.msk $0xffff, v1  }
0x156: {  	[tilespmem:s17+$0xE110] =	vst.add.f32.msk $0xffff, v2  }
0x157: {  	[tilespmem:s17+$0xE120] =	vst.add.f32.msk $0xffff, v3  }
0x158: {  	[tilespmem:s17+$0xE130] =	vst.add.f32.msk $0xffff, v4  }
0x159: {  	[tilespmem:s17+$0xE140] =	vst.add.f32.msk $0xffff, v5  }
0x15a: {  	[tilespmem:s17+$0xE150] =	vst.add.f32.msk $0xffff, v6  }
0x15b: {  	[tilespmem:s17+$0xE160] =	vst.add.f32.msk $0xffff, v7  }
0x15c: {  	[tilespmem:s17+$0xE170] =	vst.add.f32.msk $0xffff, v8  }
0x15d: {  	[tilespmem:s17+$0xE180] =	vst.add.f32.msk $0xffff, v9  }
.Ltmp5:
0x15e: {  	[tilespmem:s17+$0xE190] =	vst.add.f32.msk $0xffff, v10;
	(pc) =	sbr.rel @p1 .LBB2_9-.Ltmp5, $4  }
0x15f: {  	[tilespmem:s17+$0xE1A0] =	vst.add.f32.msk $0xffff, v11  }
0x160: {  	[tilespmem:s17+$0xE1B0] =	vst.add.f32.msk $0xffff, v12  }
0x161: {  	[tilespmem:s17+$0xE1C0] =	vst.add.f32.msk $0xffff, v13  }
0x162: {  	s6 =	sadd.s32 $0x400, s6;
	[tilespmem:s17+$0xE1D0] =	vst.add.f32.msk $0xffff, v14  }
.Ltmp6:
0x163: {  	s6 =	sadd.s32 s3, s15;
	(pc) =	sbr.rel @p0 .LBB2_12-.Ltmp6, $3  }
0x164: {  	s6 =	smul.u32 $0x640, s6;
	_ =	sdelay $0x1  }
0x165: {  	[tilespmem:s17+$0xE1E0] =	vst.add.f32.msk $0xffff, v0;
	s6 =	sadd.s32 s2, s6  }
0x166: {  	[hbm4b:s6+s4] =	stream.linear.scatter [tilespmem:s24], [sflag:$0x8], $0x3200, $0x38;
	[tilespmem:$0x11300] =	vst v63  }
0x167: {  	s6 =	smul.u32 $0xC80, s14  }
0x168: {  	_ =	swait.ge [sflag:s1], $0x3200  }
.Ltmp7:
0x169: {  	[sflag:s1] =	ssyncset.done $0x0;
	s6 =	sshra.s32 s6, $0x2;
	(pc) =	sbr.rel .LBB2_2-.Ltmp7, $4  }
0x16a: {  	[sflag:s1] =	ssyncadd.s32 $0xFFFFCE00;
	s15 =	sadd.s32 $0x4B0, s6  }
0x16b: {  	[tilespmem:s20], [sflag:$0x3] =	stream.indirect.gather [hbm4b:s5+s11], $0x40, s15, s11, $0xb8;
	[tilespmem:$0x11300] =	vst v63  }
0x16c: {  	s14 =	sadd.s32 $0x1, s14;
	s6 =	sadd.s32 $0x518, s6  }
0x16d: {  	[tilespmem:s22], [sflag:$0x3] =	stream.indirect.gather [hbm4b:s5+s13], $0x40, s6, s13, $0xb8;
	[tilespmem:$0x11300] =	vst v63  }
.LBB2_13:
0x16e: {  	_ =	sfence.sel $0x180000  }
0x16f: {  	[bflag:$0x0] =	sbarrier.arrive $0xFFFF  }
0x170: {  	_ =	strace $0x90000047  }
0x171: {  	s0 =	stileid.u32;
	[bflag:$0x2] =	sbarrier.arrive $0xFFFF  }
0x172: {  	p0 =	sne.s32 s0, $0x0;
	s0 =	rddreg [dreg:$0x2]  }
0x173: {  	s0 =	sadd.s32 @!p0 $0x100000, s0  }
0x174: {  	[sflag:s0] =	ssyncadd.tile.s32 @!p0 $0x1;
	_ =	shalt  }
.Lfunc_end2:
_tile_overlayer_lowered:
.L_overlay_start_2:
0x175: {  	(tag) =	ssettag $0x2  }
0x176: {  	s0 =	rddreg [dreg:$0x0];
	s2 =	stileid.u32  }
0x177: {  	s1 =	rddreg [dreg:$0x1];
	p0 =	sne.s32 s2, $0x0  }
0x178: {  	s3 =	rddreg [dreg:$0x2];
	[bflag:$0x3] =	sbarrier.arrive $0xFFFF;
	s2 =	simm.s32 @!p0 $0x1C09  }
0x179: {  	[timem:s3], [sflag:s2] =	dma.local @!p0 [hbm:s0], s1  }
0x17a: {  	s0 =	simm.s32 @!p0 $0x9  }
0x17b: {  	_ =	swait.ge @!p0 [sflag:s0], s1  }
0x17c: {  	s1 =	ssub.s32 @!p0 $0x0, s1;
	[sflag:s0] =	ssyncset.done @!p0 $0x0  }
0x17d: {  	[sflag:s0] =	ssyncadd.s32 @!p0 s1  }
0x17e: {  	[bflag:$0x3] =	sbarrier.arrive $0xFFFF  }
0x17f: {  	_ =	shalt  }

// kernel: sparse-core-data-format-call.cloned.1.call-start
scs
called_computation_lowered:
.L_overlay_start_0:
0x0: {  	s2 =	sld [smem:$0x3FD9]  }
0x1: {  	s3 =	sld [smem:$0x3FFE];
	_ =	sdelay $0x1  }
0x2: {  	s1 =	srdreg.scid  }
0x3: {  	s0 =	sand.u32 $0x1, s1  }
0x4: {  	s18 =	sshll.u32 s0, $0xA;
	s2 =	sadd.s32 s3, s2  }
0x5: {  	s2 =	sadd.s32 s2, s18  }
0x6: {  	[smem:$0x3FC5] =	sst s2  }
0x7: {  	_ = 	snop  }
0x8: {  	s2 =	sld [smem:$0x3FD0];
	(tm) =	ssettm $0x1  }
0x9: {  	s19 =	sld [smem:$0x3FFB];
	_ =	sdelay $0x3  }
0xa: {  	_ =	strace s19  }
0xb: {  	s3 =	sld [smem:$0x3FFC];
	_ =	sdelay $0x3  }
0xc: {  	_ =	strace s3  }
0xd: {  	s3 =	sld [smem:$0x3FFD];
	_ =	sdelay $0x3  }
0xe: {  	_ =	strace s3  }
0xf: {  	_ =	strace $0x8FFFFFFF  }
0x10: {  	s20 =	sld [smem:$0x3FDB];
	_ =	sdelay $0x1  }
0x11: {  	s4 =	simm.s32 $_scs_section_size  }
0x12: {  	s5 =	simm.s32 $_size__tile_overlayer_lowered;
	s6 =	simm.s32 $_tile_overlayer_lowered  }
0x13: {  	s23 =	simm.s32 $0x1BFF;
	s22 =	sshll.u32 s6, $0x1;
	s3 =	sadd.s32 s4, s20  }
0x14: {  	s7 =	simm.s32 $0x0;
	s21 =	sshll.u32 s5, $0x1;
	s5 =	sadd.s32 s22, s3  }
0x15: {  	[timem:s7], [sflag:s23] =	dma.local [hbm:s5], s21  }
0x16: {  	_ =	swait.ge [sflag:s23], s21  }
0x17: {  	s4 =	ssub.s32 $0x0, s21;
	[sflag:s23] =	ssyncset.done $0x0  }
0x18: {  	[sflag:s23] =	ssyncadd.s32 s4;
	_ =	sdelay $0x1  }
0x19: {  	s24 =	simm.s32 $0x1B8B  }
0x1a: {  	_ =	swait.ge [sflag:s24], $0x1  }
0x1b: {  	[sflag:s24] =	ssyncset.done $0x0  }
0x1c: {  	s26 =	simm.s32 $0x1B8E;
	s25 =	sld [smem:$0x3FFE];
	[sflag:s24] =	ssyncadd.s32 $0xFFFFFFFF  }
0x1d: {  	s27 =	simm.s32 $execute0_lowered;
	[smem:$0x3FD2] =	sst s26  }
0x1e: {  	s5 =	sshll.u32 s27, $0x1;
	_ =	strace $0x80000049;
	[dreg:$0x1] =	wrdreg $0xFFFFFFFF  }
0x1f: {  	s28 =	simm.s32 $_size_execute0_lowered;
	s3 =	sadd.s32 s3, s5;
	[dreg:$0x0] =	wrdreg $0x0  }
0x20: {  	s5 =	sshll.u32 s28, $0x1;
	[dreg:$0x2] =	wrdreg s3  }
0x21: {  	[dreg:$0x3] =	wrdreg s5  }
0x22: {  	[dreg:$0x4] =	wrdreg $0xC0  }
0x23: {  	_ =	task [dreg:s7], $0x5FFFF  }
0x24: {  	[dreg:$0x1] =	wrdreg $0xFFFFFFFF  }
0x25: {  	[dreg:$0x0] =	wrdreg $0x60  }
0x26: {  	[dreg:$0x2] =	wrdreg s25  }
0x27: {  	[dreg:$0x3] =	wrdreg s2  }
0x28: {  	[dreg:$0x4] =	wrdreg $0x9  }
0x29: {  	_ =	task.clear_ibuf [dreg:s7], $0x5FFFF;
	_ =	strace $0x90000049  }
0x2a: {  	s29 =	simm.s32 $0x9;
	_ =	strace $0x8000004B  }
0x2b: {  	_ =	swait.ge [sflag:s29], $0x1  }
0x2c: {  	[sflag:s29] =	ssyncadd.s32 $0xFFFFFFFF  }
0x2d: {  	_ =	strace $0x9000004B  }
0x2e: {  	_ =	sfence  }
0x2f: {  	s30 =	sld [smem:$0x0];
	_ =	sdelay $0x2  }
0x30: {  	s31 =	sshll.u32 s1, $0xD;
	s1 =	sshrl.u32 s1, $0x2  }
0x31: {  	s3 =	sand.u32 $0x4000, s31;
	s1 =	sadd.s32 s1, s30  }
0x32: {  	s0 =	sor.u32 s3, s0;
	s1 =	sshll.u32 s1, $0x11  }
0x33: {  	s0 =	sor.u32 s1, s0  }
0x34: {  	s0 =	sadd.s32 $0x8F2B, s0  }
0x35: {  	[sflag:s0] =	ssyncadd.remote.s32 $0x1  }
0x36: {  	_ =	sfence.sel $0xFFFF  }
0x37: {  	[dreg:$0x0] =	wrdreg $0xFFFFFFFF;
	(pc) =	sbr.abs _section_cstart, $3  }
0x38: {  	[dreg:$0x1] =	wrdreg $0xFFFFFFFF  }
0x39: {  	_ =	task.clear_ibuf [dreg:s7], $0x2FFFF;
	_ =	strace $0x9FFFFFFF  }
0x3a: {  	(tm) =	ssettm $0x7FFFFFFF  }
0x3b: {  	_ =	shalt  }
tec
execute0_lowered:
.L_overlay_start_1:
0x0: {  	(tag) =	ssettag $0x1  }
0x1: {  	s0 =	stileid.u32;
	s6 =	rddreg [dreg:$0x0]  }
0x2: {  	s2 =	rddreg [dreg:$0x1];
	s5 =	srdreg.scid  }
0x3: {  	s31 =	simm.s32 $0x2;
	s13 =	simm.s32 $0x0;
	s1 =	sshll.u32 s0, $0x7  }
0x4: {  	s14 =	simm.s32 $0x0;
	s12 =	simm.s32 $0x0;
	s3 =	sand.u32 $0x380, s1  }
0x5: {  	s5 =	sshll.u32 s5, $0x4;
	s6 =	sadd.s32 $0xC00, s6;
	s4 =	ssub.s32 $0x400, s3  }
0x6: {  	s1 =	rddreg [dreg:$0x2];
	_ =	strace $0x8000004A;
	s7 =	sand.u32 $0x380, s4  }
0x7: {  	s5 =	sand.u32 $0x10, s5;
	p0 =	sne.s32 s7, $0x0;
	s7 =	simm.s32 $0x1  }
.Ltmp0:
0x8: {  	s8 =	sshrl.u32 s4, $0xA;
	s7 =	simm.s32 @!p0 $0x0;
	(pc) =	sbr.rel .LBB1_1-.Ltmp0, $4  }
0x9: {  	s9 =	sor.u32 s0, s5;
	s4 =	simm.s32 $0x1;
	s30 =	sadd.s32 s7, s8  }
0xa: {  	s11 =	smov.u32 s3;
	[sflag:s4] =	ssyncpa.u1 $0x0;
	s5 =	smul.u32 $0x32, s30  }
0xb: {  	[sflag:s31] =	ssyncpa.u1 $0x0;
	p0 =	por $0x0, $0x0;
	s7 =	sshrl.u32 s9, $0x3  }
0xc: {  	s9 =	simm.s32 $0x2000;
	s10 =	smov.u32 s7;
	s8 =	sor.u32 $0x1, s5  }
.LBB1_4:
0xd: {  	s17 =	sand.u32 $0x1F80, s14;
	s13 =	sshll.u32 s13, $0xD  }
0xe: {  	[tilespmem:s16+$0x810 ss:$0x81] =	vst.msk $0xffff, v2;
	s18 =	sshrl.u32 s14, $0x3;
	s31 =	sand.u32 $0x7, s14;
	s17 =	sadd.s32 s2, s17  }
0xf: {  	[tilespmem:s16+$0x1020 ss:$0x81] =	vst.msk $0xffff, v0;
	s18 =	sand.u32 $0xF, s18;
	s14 =	sshll.u32 s31, $0x12;
	s13 =	sadd.s32 s13, s17  }
0x10: {  	[tilespmem:s16+$0x0 ss:$0x81] =	vst.msk $0xffff, v1;
	s14 =	sor.u32 $0x400, s14;
	s13 =	sadd.s32 s18, s13  }
0x11: {  	[hbm4b:s13+s14] =	stream.strided.scatter [tilespmem:s15], [sflag:$0x2], $0x2000, s9, s14, $0x20;
	[tilespmem:$0x8080] =	vst v63  }
.LBB1_5:
0x12: {  	s15 =	sadd.s32 $0x4, s10  }
0x13: {  	s13 =	sadd.s32 $0x400, s11;
	s17 =	smov.u32 s11;
	p2 =	sgt.s32 s15, $0xC7  }
0x14: {  	s17 =	smov.u32 @p2 s13  }
0x15: {  	s15 =	smov.u32 @p2 s7;
	p2 =	sgt.s32 s17, $0x3FF  }
0x16: {  	s17 =	smov.u32 @p2 s3;
	p2 =	sne.s32 s12, s8  }
.Ltmp1:
0x17: {  	p1 =	slt.u32 s12, $0x2;
	(pc) =	sbr.rel @!p2 .LBB1_6-.Ltmp1, $4  }
0x18: {  	s16 =	simm.s32 @!p1 $0x2  }
0x19: {  	s14 =	smov.u32 s11;
	p0 =	por !p0, !p0;
	_ =	swait.ge @!p1 [sflag:s16], $0x2000  }
0x1a: {  	s13 =	smov.u32 s10;
	[sflag:s16] =	ssyncset.done @!p1 $0x0;
	s10 =	smov.u32 s15  }
0x1b: {  	s12 =	sadd.s32 $0x1, s12;
	[sflag:s16] =	ssyncadd.s32 @!p1 $0xFFFFE000;
	s11 =	smov.u32 s17  }
.LBB1_1:
0x1c: {  	p1 =	sge.u32 s12, s5  }
0x1d: {  	s15 =	sand.u32 @!p1 $0x1FFFFFF, s10  }
0x1e: {  	s16 =	smulhi.u32 @!p1 $0x147AE15, s15;
	_ =	sdelay $0x1  }
0x1f: {  	s16 =	smul.u32 @!p1 $0xC8, s16  }
0x20: {  	s17 =	sxor.u32 @!p1 $0xFFFFFFFF, s12;
	s18 =	smul.u32 @!p1 $0xC80, s11  }
0x21: {  	s31 =	sadd.s32 $0xFFFFFFFF, s12;
	s17 =	sshll.u32 @!p1 s17, $0xD;
	s15 =	ssub.s32 @!p1 s15, s16  }
0x22: {  	s16 =	sand.u32 @!p1 $0x2000, s17;
	s17 =	sadd.s32 @!p1 s6, s18;
	s15 =	sshll.u32 @!p1 s15, $0x4  }
0x23: {  	s18 =	simm.s32 @!p1 $0x6400;
	s15 =	sadd.s32 @!p1 s15, s17;
	s17 =	simm.s32 @!p1 $0x40  }
0x24: {  	[tilespmem:s16], [sflag:$0x1] =	stream.strided.gather @!p1 [hbm4b:s15+s17], $0x2000, s18, s17, $0x38;
	[tilespmem:$0x8080] =	vst v63  }
0x25: {  	p1 =	sge.u32 s31, s5  }
.Ltmp2:
0x26: {  	_ = 	snop;
	(pc) =	sbr.rel @p1 .LBB1_5-.Ltmp2, $1  }
0x27: {  	_ =	sdelay $0x3  }
0x28: {  	s15 =	simm.s32 $0x1  }
0x29: {  	_ =	swait.ge [sflag:s4], $0x2000;
	s15 =	simm.s32 @!p0 $0x0  }
0x2a: {  	[sflag:s4] =	ssyncset.done $0x0;
	s16 =	sshll.u32 s15, $0xD  }
0x2b: {  	[sflag:s4] =	ssyncadd.s32 $0xFFFFE000;
	s19 =	sor.u32 $0x20, s16  }
0x2c: {  	s15 =	smul.u32 $0x8100, s15;
	v3 =	vld [tilespmem:s19+$0x10]  }
0x2d: {  	s30 =	sand.u32 $0x1, s12;
	v2 =	vld [tilespmem:s19+$0xFFFFFFF0]  }
0x2e: {  	s16 =	smul.u32 $0x8100, s30;
	s15 =	sshrl.u32 s15, $0x2;
	v0 =	vld [tilespmem:s19+$0x0]  }
0x2f: {  	v1 =	vld [tilespmem:s19+$0xFFFFFFE0];
	s17 =	sor.u32 $0x4000, s15  }
0x30: {  	s31 =	sshrl.u32 s16, $0x2;
	s16 =	sadd.s32 $0x0, s17  }
0x31: {  	s18 =	simm.s32 $0x4;
	s19 =	sadd.s32 $0x40, s19;
	s15 =	sor.u32 $0x4000, s31;
	[tilespmem:s16+$0x1830 ss:$0x81] =	vst.msk $0xffff, v3  }
.LBB1_3:
0x32: {  	v3 =	vld [tilespmem:s19+$0x10];
	p1 =	sne.s32 s18, $0x1FC;
	[tilespmem:s16+$0x810 ss:$0x81] =	vst.msk $0xffff, v2;
	s20 =	smov.u32 s18;
	s18 =	sadd.s32 $0x4, s18  }
.Ltmp3:
0x33: {  	v2 =	vld [tilespmem:s19+$0xFFFFFFF0];
	[tilespmem:s16+$0x1020 ss:$0x81] =	vst.msk $0xffff, v0;
	(pc) =	sbr.rel @p1 .LBB1_3-.Ltmp3, $4  }
0x34: {  	v0 =	vld [tilespmem:s19+$0x0];
	[tilespmem:s16+$0x0 ss:$0x81] =	vst.msk $0xffff, v1  }
0x35: {  	s16 =	sshra.s32 s20, $0x2;
	v1 =	vld [tilespmem:s19+$0xFFFFFFE0]  }
0x36: {  	s16 =	sadd.s32 s16, s17  }
0x37: {  	s19 =	sadd.s32 $0x40, s19;
	[tilespmem:s16+$0x1830 ss:$0x81] =	vst.msk $0xffff, v3  }
.Ltmp4:
0x38: {  	_ = 	snop;
	(pc) =	sbr.rel .LBB1_4-.Ltmp4, $1  }
0x39: {  	_ =	sdelay $0x3  }
.LBB1_6:
0x3a: {  	_ =	sfence.sel $0x180000  }
0x3b: {  	s2 =	simm.s32 $0x1;
	[bflag:$0x0] =	sbarrier.arrive $0xFFFF  }
0x3c: {  	s31 =	simm.s32 $0x2;
	[sflag:s2] =	ssyncpa.u1 $0x1  }
0x3d: {  	[sflag:s31] =	ssyncpa.u1 $0x1  }
0x3e: {  	p0 =	sne.s32 s0, $0x0;
	_ =	strace $0x9000004A  }
0x3f: {  	s0 =	sadd.s32 @!p0 $0x100000, s1;
	[bflag:$0x2] =	sbarrier.arrive $0xFFFF  }
0x40: {  	[sflag:s0] =	ssyncadd.tile.s32 @!p0 $0x1;
	_ =	shalt  }
.Lfunc_end1:
_tile_overlayer_lowered:
.L_overlay_start_2:
0x41: {  	(tag) =	ssettag $0x2  }
0x42: {  	s0 =	rddreg [dreg:$0x0];
	s2 =	stileid.u32  }
0x43: {  	s1 =	rddreg [dreg:$0x1];
	p0 =	sne.s32 s2, $0x0  }
0x44: {  	s3 =	rddreg [dreg:$0x2];
	[bflag:$0x3] =	sbarrier.arrive $0xFFFF;
	s2 =	simm.s32 @!p0 $0x1C01  }
0x45: {  	[timem:s3], [sflag:s2] =	dma.local @!p0 [hbm:s0], s1  }
0x46: {  	s0 =	simm.s32 @!p0 $0x1  }
0x47: {  	_ =	swait.ge @!p0 [sflag:s0], s1  }
0x48: {  	s1 =	ssub.s32 @!p0 $0x0, s1;
	[sflag:s0] =	ssyncset.done @!p0 $0x0  }
0x49: {  	[sflag:s0] =	ssyncadd.s32 @!p0 s1  }
0x4a: {  	[bflag:$0x3] =	sbarrier.arrive $0xFFFF  }
0x4b: {  	_ =	shalt  }

</sc_bundles>
